<compile_context>
chip_gen: v7x
topology: tpu7x:2x2x1
jax: 0.10.2.dev20260603
libtpu: 0.0.44.dev20260713+nightly
codegen_flags: <defaults>
</compile_context>

<pallas_src>
import functools

import jax
import jax.numpy as jnp
from jax import lax
from jax.experimental import pallas as pl
from jax.experimental.pallas import tpu as pltpu
from jax.experimental.pallas import tpu_sc as plsc

_BATCH = 16384
_NF = 26
_D = 32
_B = _BATCH * _NF
_V = 1000000
_Q = _V // 4

_info = plsc.get_sparse_core_info()
_NC, _NS = _info.num_cores, _info.num_subcores
_NW = _NC * _NS
_BPW = _B // _NW
_CH = 832
_NCHUNK = _BPW // _CH
_NBUF = 4

_CBLK = 4096
_GRID = -(-_V // _CBLK)
_QROWS = _GRID * (_CBLK // 4)


def _prep_body(w, o):
    xb = w[...]
    o[...] = jnp.concatenate(
        [xb[:, 1024 * kp:1024 * (kp + 1)].T for kp in range(4)], axis=1)


_prep = pl.pallas_call(
    _prep_body,
    grid=(_GRID,),
    in_specs=[pl.BlockSpec((_D, _CBLK), lambda i: (0, i))],
    out_specs=pl.BlockSpec((_CBLK // 4, 128), lambda i: (i, 0)),
    out_shape=jax.ShapeDtypeStruct((_QROWS, 128), jnp.float32),
)

_mesh = plsc.VectorSubcoreMesh(core_axis_name="c", subcore_axis_name="s")


@functools.partial(
    pl.kernel,
    mesh=_mesh,
    out_type=jax.ShapeDtypeStruct((_B, _D), jnp.float32),
    scratch_types=[
        pltpu.VMEM((_BPW,), jnp.int32),
        pltpu.VMEM((_NBUF * _CH, _D), jnp.float32),
        pltpu.SemaphoreType.DMA,
        pltpu.SemaphoreType.DMA,
    ],
    compiler_params=pltpu.CompilerParams(
        use_tc_tiling_on_sc=False, needs_layout_passes=False),
)
def _emb_lookup(x_hbm, w_hbm, out_hbm, idx_v, rows_v, gsem, osem):
    wid = lax.axis_index("s") * _NC + lax.axis_index("c")
    base = wid * _BPW
    pltpu.sync_copy(x_hbm.at[pl.ds(base, _BPW)], idx_v)

    def remap(t, carry):
        v = idx_v[pl.ds(t * 16, 16)]
        idx_v[pl.ds(t * 16, 16)] = ((v & -4096)
                                    + ((v & 1023) << 2)
                                    + ((v >> 10) & 3))
        return carry

    lax.fori_loop(0, _BPW // 16, remap, 0)

    def gather(j):
        return pltpu.async_copy(
            w_hbm.at[idx_v.at[pl.ds(j * _CH, _CH)]],
            rows_v.at[pl.ds((j % _NBUF) * _CH, _CH)], gsem)

    gathers = [None] * _NCHUNK
    outs = [None] * _NCHUNK
    for j in range(min(_NBUF - 1, _NCHUNK)):
        gathers[j] = gather(j)
    for i in range(_NCHUNK):
        gathers[i].wait()
        outs[i] = pltpu.async_copy(
            rows_v.at[pl.ds((i % _NBUF) * _CH, _CH)],
            out_hbm.at[pl.ds(base + i * _CH, _CH)], osem)
        j = i + _NBUF - 1
        if j < _NCHUNK:
            if j - _NBUF >= 0:
                outs[j - _NBUF].wait()
            gathers[j] = gather(j)
    for i in range(max(0, _NCHUNK - _NBUF), _NCHUNK):
        outs[i].wait()


def kernel(x, weight):
    wq = _prep(weight.T)
    wlin = wq.reshape(_QROWS * 4, _D)
    xf = x.reshape(_B).astype(jnp.int32)
    out = _emb_lookup(xf, wlin)
    return out.reshape(_BATCH, _NF, _D)

# --- scband reference (transcript-rebuilt; emitter-appended) ---
"""Pipeline reference for scband-categorical-embedding-43181601194722 (READ-ONLY COPY).

The authoritative reference and input builder live on the scoring server;
editing this copy changes nothing except your own understanding.
"""

import jax, jax.numpy as jnp
import numpy as np

NUM_CLASSES = 1000000
EMB_DIM = 32
BATCH = 16384
N_FIELDS = 26

def setup_inputs(seed: int = 0) -> dict:
    key = jax.random.key(seed)
    k_idx, k_w = jax.random.split(key)
    x = jax.random.randint(k_idx, (BATCH, N_FIELDS), 0, NUM_CLASSES, dtype=jnp.int64 if jax.config.jax_enable_x64 else jnp.int32)
    # nn.Embedding default init: N(0, 1)
    weight = jax.random.normal(k_w, (NUM_CLASSES, EMB_DIM), dtype=jnp.float32)
    return {"x": x, "weight": weight}

def reference(x, weight):
    # CategoricalEmbedding.forward: self.emb_layer(x)
    return jnp.take(weight, x, axis=0)

if __name__ == "__main__":
    import jax
    _d = setup_inputs()
    print(jax.jit(kernel)(*tuple(_d.values())))

</pallas_src>

<mosaic_0001>
#map = affine_map<(d0, d1) -> (0)>
#map1 = affine_map<(d0, d1) -> (0, 0)>
module attributes {stable_mosaic.version = 14 : i64} {
  func.func @_emb_lookup(%arg0: i32, %arg1: i32, %arg2: memref<425984xi32, #tpu.memory_space<hbm>>, %arg3: memref<1003520x32xf32, #tpu.memory_space<hbm>>, %arg4: memref<425984x32xf32, #tpu.memory_space<hbm>>, %arg5: memref<13312xi32, #tpu.memory_space<vmem>>, %arg6: memref<3328x32xf32, #tpu.memory_space<vmem>>, %arg7: memref<!tpu.dma_semaphore, #tpu.memory_space<semaphore_mem>>, %arg8: memref<!tpu.dma_semaphore, #tpu.memory_space<semaphore_mem>>) attributes {dimension_semantics = [#tpu.dimension_semantics<core_parallel>, #tpu.dimension_semantics<subcore_parallel>], iteration_bounds = array<i64: 2, 16>, scalar_prefetch = 0 : i64, scratch_operands = 4 : i64, tpu.core_type = #tpu.core_type<sc_vector_subcore>, window_params = [{transform_indices = #map}, {transform_indices = #map1}, {transform_indices = #map1}]} {
    %mul3A = arith.constant 2 : i32
    %mul3A_0 = arith.muli %arg1, %mul3A : i32
    %add3A = arith.addi %mul3A_0, %arg0 : i32
    %mul3A_1 = arith.constant 13312 : i32
    %mul3A_2 = arith.muli %add3A, %mul3A_1 : i32
    "tpu.region"() ({
      %run_scoped3A = tpu.sem_alloc : memref<!tpu.dma_semaphore, #tpu.memory_space<semaphore_mem>>
      %dma_start3A_614 = tpu.memref_slice %arg2[%mul3A_2] : memref<425984xi32, #tpu.memory_space<hbm>> -> memref<13312xi32, #tpu.memory_space<hbm>>
      %dma_start3A_615 = tpu.memref_slice %arg2[%mul3A_2] : memref<425984xi32, #tpu.memory_space<hbm>> -> memref<13312xi32, #tpu.memory_space<hbm>>
      tpu.enqueue_dma source(%dma_start3A_615 : memref<13312xi32, #tpu.memory_space<hbm>>) target(%arg5 : memref<13312xi32, #tpu.memory_space<vmem>>) target_semaphore(%run_scoped3A : memref<!tpu.dma_semaphore, #tpu.memory_space<semaphore_mem>>)
      %dma_wait3A_616 = tpu.memref_slice %arg2[%mul3A_2] : memref<425984xi32, #tpu.memory_space<hbm>> -> memref<13312xi32, #tpu.memory_space<hbm>>
      %dma_wait3A_617 = tpu.memref_slice %arg2[%mul3A_2] : memref<425984xi32, #tpu.memory_space<hbm>> -> memref<13312xi32, #tpu.memory_space<hbm>>
      tpu.wait_dma2 semaphore(%run_scoped3A : memref<!tpu.dma_semaphore, #tpu.memory_space<semaphore_mem>>) src(%dma_wait3A_617 : memref<13312xi32, #tpu.memory_space<hbm>>) dst(%arg5 : memref<13312xi32, #tpu.memory_space<vmem>>)
      tpu.yield
    }) : () -> ()
    %scan3A = arith.constant 0 : i32
    %scan3A_3 = arith.constant 0 : i32
    %scan3A_4 = arith.constant 832 : i32
    %scan3A_5 = arith.addi %scan3A_3, %scan3A_4 : i32
    %scan3A_6 = arith.constant 1 : i32
    scf.for %scan3A_614 = %scan3A_3 to %scan3A_5 step %scan3A_6  : i32 {
      %mul3A_615 = arith.constant 16 : i32
      %mul3A_616 = arith.muli %scan3A_614, %mul3A_615 : i32
      %get3A = arith.index_cast %mul3A_616 : i32 to index
      %get3A_617 = tpu.vector_load %arg5[%get3A] {strides = array<i32>} : memref<13312xi32, #tpu.memory_space<vmem>>, vector<16xi32>,
      %and3A = arith.constant -4096 : i32
      %and3A_618 = vector.broadcast %and3A : i32 to vector<16xi32>
      %and3A_619 = arith.andi %get3A_617, %and3A_618 : vector<16xi32>
      %and3A_620 = arith.constant 1023 : i32
      %and3A_621 = vector.broadcast %and3A_620 : i32 to vector<16xi32>
      %and3A_622 = arith.andi %get3A_617, %and3A_621 : vector<16xi32>
      %shift_left3A = arith.constant 2 : i32
      %shift_left3A_623 = vector.broadcast %shift_left3A : i32 to vector<16xi32>
      %shift_left3A_624 = arith.shli %and3A_622, %shift_left3A_623 : vector<16xi32>
      %add3A_625 = arith.addi %and3A_619, %shift_left3A_624 : vector<16xi32>
      %shift_right_arithmetic3A = arith.constant 10 : i32
      %shift_right_arithmetic3A_626 = vector.broadcast %shift_right_arithmetic3A : i32 to vector<16xi32>
      %shift_right_arithmetic3A_627 = arith.shrsi %get3A_617, %shift_right_arithmetic3A_626 : vector<16xi32>
      %and3A_628 = arith.constant 3 : i32
      %and3A_629 = vector.broadcast %and3A_628 : i32 to vector<16xi32>
      %and3A_630 = arith.andi %shift_right_arithmetic3A_627, %and3A_629 : vector<16xi32>
      %add3A_631 = arith.addi %add3A_625, %and3A_630 : vector<16xi32>
      %mul3A_632 = arith.constant 16 : i32
      %mul3A_633 = arith.muli %scan3A_614, %mul3A_632 : i32
      %swap3A = arith.index_cast %mul3A_633 : i32 to index
      %swap3A_634 = tpu.vector_load %arg5[%swap3A] {strides = array<i32>} : memref<13312xi32, #tpu.memory_space<vmem>>, vector<16xi32>,
      tpu.vector_store %arg5[%swap3A], %add3A_631 {strides = array<i32>} : memref<13312xi32, #tpu.memory_space<vmem>>, vector<16xi32>,
    }
    %scan3A_7 = arith.constant 832 : i32
    %dma_start3A = arith.constant 0 : i32
    %dma_start3A_8 = arith.constant 0 : i32
    %dma_start3A_9 = tpu.memref_slice %arg6[%dma_start3A, %dma_start3A_8] : memref<3328x32xf32, #tpu.memory_space<vmem>> -> memref<832x32xf32, #tpu.memory_space<vmem>>
    %dma_start3A_10 = arith.constant 0 : i32
    %dma_start3A_11 = tpu.memref_slice %arg5[%dma_start3A_10] : memref<13312xi32, #tpu.memory_space<vmem>> -> memref<832xi32, #tpu.memory_space<vmem>>
    %dma_start3A_12 = arith.constant 0 : i32
    %dma_start3A_13 = arith.constant 0 : i32
    %dma_start3A_14 = tpu.memref_slice %arg3[%dma_start3A_12, %dma_start3A_13] : memref<1003520x32xf32, #tpu.memory_space<hbm>> -> memref<1003520x32xf32, #tpu.memory_space<hbm>>
    tpu.enqueue_indirect_dma source(%dma_start3A_14 : memref<1003520x32xf32, #tpu.memory_space<hbm>>) target(%dma_start3A_9 : memref<832x32xf32, #tpu.memory_space<vmem>>) offsets(%dma_start3A_11 : memref<832xi32, #tpu.memory_space<vmem>>) semaphore(%arg7 : memref<!tpu.dma_semaphore, #tpu.memory_space<semaphore_mem>>)
    %dma_start3A_15 = arith.constant 832 : i32
    %dma_start3A_16 = arith.constant 0 : i32
    %dma_start3A_17 = tpu.memref_slice %arg6[%dma_start3A_15, %dma_start3A_16] : memref<3328x32xf32, #tpu.memory_space<vmem>> -> memref<832x32xf32, #tpu.memory_space<vmem>>
    %dma_start3A_18 = arith.constant 832 : i32
    %dma_start3A_19 = tpu.memref_slice %arg5[%dma_start3A_18] : memref<13312xi32, #tpu.memory_space<vmem>> -> memref<832xi32, #tpu.memory_space<vmem>>
    %dma_start3A_20 = arith.constant 0 : i32
    %dma_start3A_21 = arith.constant 0 : i32
    %dma_start3A_22 = tpu.memref_slice %arg3[%dma_start3A_20, %dma_start3A_21] : memref<1003520x32xf32, #tpu.memory_space<hbm>> -> memref<1003520x32xf32, #tpu.memory_space<hbm>>
    tpu.enqueue_indirect_dma source(%dma_start3A_22 : memref<1003520x32xf32, #tpu.memory_space<hbm>>) target(%dma_start3A_17 : memref<832x32xf32, #tpu.memory_space<vmem>>) offsets(%dma_start3A_19 : memref<832xi32, #tpu.memory_space<vmem>>) semaphore(%arg7 : memref<!tpu.dma_semaphore, #tpu.memory_space<semaphore_mem>>)
    %dma_start3A_23 = arith.constant 1664 : i32
    %dma_start3A_24 = arith.constant 0 : i32
    %dma_start3A_25 = tpu.memref_slice %arg6[%dma_start3A_23, %dma_start3A_24] : memref<3328x32xf32, #tpu.memory_space<vmem>> -> memref<832x32xf32, #tpu.memory_space<vmem>>
    %dma_start3A_26 = arith.constant 1664 : i32
    %dma_start3A_27 = tpu.memref_slice %arg5[%dma_start3A_26] : memref<13312xi32, #tpu.memory_space<vmem>> -> memref<832xi32, #tpu.memory_space<vmem>>
    %dma_start3A_28 = arith.constant 0 : i32
    %dma_start3A_29 = arith.constant 0 : i32
    %dma_start3A_30 = tpu.memref_slice %arg3[%dma_start3A_28, %dma_start3A_29] : memref<1003520x32xf32, #tpu.memory_space<hbm>> -> memref<1003520x32xf32, #tpu.memory_space<hbm>>
    tpu.enqueue_indirect_dma source(%dma_start3A_30 : memref<1003520x32xf32, #tpu.memory_space<hbm>>) target(%dma_start3A_25 : memref<832x32xf32, #tpu.memory_space<vmem>>) offsets(%dma_start3A_27 : memref<832xi32, #tpu.memory_space<vmem>>) semaphore(%arg7 : memref<!tpu.dma_semaphore, #tpu.memory_space<semaphore_mem>>)
    %dma_wait3A = arith.constant 0 : i32
    %dma_wait3A_31 = arith.constant 0 : i32
    %dma_wait3A_32 = tpu.memref_slice %arg6[%dma_wait3A, %dma_wait3A_31] : memref<3328x32xf32, #tpu.memory_space<vmem>> -> memref<832x32xf32, #tpu.memory_space<vmem>>
    %dma_wait3A_33 = arith.constant 0 : i32
    %dma_wait3A_34 = tpu.memref_slice %arg5[%dma_wait3A_33] : memref<13312xi32, #tpu.memory_space<vmem>> -> memref<832xi32, #tpu.memory_space<vmem>>
    %dma_wait3A_35 = arith.constant 0 : i32
    %dma_wait3A_36 = arith.constant 0 : i32
    %dma_wait3A_37 = tpu.memref_slice %arg3[%dma_wait3A_35, %dma_wait3A_36] : memref<1003520x32xf32, #tpu.memory_space<hbm>> -> memref<1003520x32xf32, #tpu.memory_space<hbm>>
    tpu.wait_indirect_dma semaphore(%arg7 : memref<!tpu.dma_semaphore, #tpu.memory_space<semaphore_mem>>) src(%dma_wait3A_37 : memref<1003520x32xf32, #tpu.memory_space<hbm>>) dst(%dma_wait3A_32 : memref<832x32xf32, #tpu.memory_space<vmem>>)
    %add3A_38 = arith.constant 0 : i32
    %add3A_39 = arith.addi %mul3A_2, %add3A_38 : i32
    %dma_start3A_40 = arith.constant 0 : i32
    %dma_start3A_41 = arith.constant 0 : i32
    %dma_start3A_42 = tpu.memref_slice %arg6[%dma_start3A_40, %dma_start3A_41] : memref<3328x32xf32, #tpu.memory_space<vmem>> -> memref<832x32xf32, #tpu.memory_space<vmem>>
    %dma_start3A_43 = arith.constant 0 : i32
    %dma_start3A_44 = tpu.memref_slice %arg4[%add3A_39, %dma_start3A_43] : memref<425984x32xf32, #tpu.memory_space<hbm>> -> memref<832x32xf32, #tpu.memory_space<hbm>>
    %dma_start3A_45 = arith.constant 0 : i32
    %dma_start3A_46 = tpu.memref_slice %arg4[%add3A_39, %dma_start3A_45] : memref<425984x32xf32, #tpu.memory_space<hbm>> -> memref<832x32xf32, #tpu.memory_space<hbm>>
    %dma_start3A_47 = arith.constant 0 : i32
    %dma_start3A_48 = arith.constant 0 : i32
    %dma_start3A_49 = tpu.memref_slice %arg6[%dma_start3A_47, %dma_start3A_48] : memref<3328x32xf32, #tpu.memory_space<vmem>> -> memref<832x32xf32, #tpu.memory_space<vmem>>
    tpu.enqueue_dma source(%dma_start3A_49 : memref<832x32xf32, #tpu.memory_space<vmem>>) target(%dma_start3A_46 : memref<832x32xf32, #tpu.memory_space<hbm>>) target_semaphore(%arg8 : memref<!tpu.dma_semaphore, #tpu.memory_space<semaphore_mem>>)
    %dma_start3A_50 = arith.constant 2496 : i32
    %dma_start3A_51 = arith.constant 0 : i32
    %dma_start3A_52 = tpu.memref_slice %arg6[%dma_start3A_50, %dma_start3A_51] : memref<3328x32xf32, #tpu.memory_space<vmem>> -> memref<832x32xf32, #tpu.memory_space<vmem>>
    %dma_start3A_53 = arith.constant 2496 : i32
    %dma_start3A_54 = tpu.memref_slice %arg5[%dma_start3A_53] : memref<13312xi32, #tpu.memory_space<vmem>> -> memref<832xi32, #tpu.memory_space<vmem>>
    %dma_start3A_55 = arith.constant 0 : i32
    %dma_start3A_56 = arith.constant 0 : i32
    %dma_start3A_57 = tpu.memref_slice %arg3[%dma_start3A_55, %dma_start3A_56] : memref<1003520x32xf32, #tpu.memory_space<hbm>> -> memref<1003520x32xf32, #tpu.memory_space<hbm>>
    tpu.enqueue_indirect_dma source(%dma_start3A_57 : memref<1003520x32xf32, #tpu.memory_space<hbm>>) target(%dma_start3A_52 : memref<832x32xf32, #tpu.memory_space<vmem>>) offsets(%dma_start3A_54 : memref<832xi32, #tpu.memory_space<vmem>>) semaphore(%arg7 : memref<!tpu.dma_semaphore, #tpu.memory_space<semaphore_mem>>)
    %dma_wait3A_58 = arith.constant 832 : i32
    %dma_wait3A_59 = arith.constant 0 : i32
    %dma_wait3A_60 = tpu.memref_slice %arg6[%dma_wait3A_58, %dma_wait3A_59] : memref<3328x32xf32, #tpu.memory_space<vmem>> -> memref<832x32xf32, #tpu.memory_space<vmem>>
    %dma_wait3A_61 = arith.constant 832 : i32
    %dma_wait3A_62 = tpu.memref_slice %arg5[%dma_wait3A_61] : memref<13312xi32, #tpu.memory_space<vmem>> -> memref<832xi32, #tpu.memory_space<vmem>>
    %dma_wait3A_63 = arith.constant 0 : i32
    %dma_wait3A_64 = arith.constant 0 : i32
    %dma_wait3A_65 = tpu.memref_slice %arg3[%dma_wait3A_63, %dma_wait3A_64] : memref<1003520x32xf32, #tpu.memory_space<hbm>> -> memref<1003520x32xf32, #tpu.memory_space<hbm>>
    tpu.wait_indirect_dma semaphore(%arg7 : memref<!tpu.dma_semaphore, #tpu.memory_space<semaphore_mem>>) src(%dma_wait3A_65 : memref<1003520x32xf32, #tpu.memory_space<hbm>>) dst(%dma_wait3A_60 : memref<832x32xf32, #tpu.memory_space<vmem>>)
    %add3A_66 = arith.constant 832 : i32
    %add3A_67 = arith.addi %mul3A_2, %add3A_66 : i32
    %dma_start3A_68 = arith.constant 832 : i32
    %dma_start3A_69 = arith.constant 0 : i32
    %dma_start3A_70 = tpu.memref_slice %arg6[%dma_start3A_68, %dma_start3A_69] : memref<3328x32xf32, #tpu.memory_space<vmem>> -> memref<832x32xf32, #tpu.memory_space<vmem>>
    %dma_start3A_71 = arith.constant 0 : i32
    %dma_start3A_72 = tpu.memref_slice %arg4[%add3A_67, %dma_start3A_71] : memref<425984x32xf32, #tpu.memory_space<hbm>> -> memref<832x32xf32, #tpu.memory_space<hbm>>
    %dma_start3A_73 = arith.constant 0 : i32
    %dma_start3A_74 = tpu.memref_slice %arg4[%add3A_67, %dma_start3A_73] : memref<425984x32xf32, #tpu.memory_space<hbm>> -> memref<832x32xf32, #tpu.memory_space<hbm>>
    %dma_start3A_75 = arith.constant 832 : i32
    %dma_start3A_76 = arith.constant 0 : i32
    %dma_start3A_77 = tpu.memref_slice %arg6[%dma_start3A_75, %dma_start3A_76] : memref<3328x32xf32, #tpu.memory_space<vmem>> -> memref<832x32xf32, #tpu.memory_space<vmem>>
    tpu.enqueue_dma source(%dma_start3A_77 : memref<832x32xf32, #tpu.memory_space<vmem>>) target(%dma_start3A_74 : memref<832x32xf32, #tpu.memory_space<hbm>>) target_semaphore(%arg8 : memref<!tpu.dma_semaphore, #tpu.memory_space<semaphore_mem>>)
    %dma_wait3A_78 = arith.constant 0 : i32
    %dma_wait3A_79 = arith.constant 0 : i32
    %dma_wait3A_80 = tpu.memref_slice %arg6[%dma_wait3A_78, %dma_wait3A_79] : memref<3328x32xf32, #tpu.memory_space<vmem>> -> memref<832x32xf32, #tpu.memory_space<vmem>>
    %dma_wait3A_81 = arith.constant 0 : i32
    %dma_wait3A_82 = tpu.memref_slice %arg4[%add3A_39, %dma_wait3A_81] : memref<425984x32xf32, #tpu.memory_space<hbm>> -> memref<832x32xf32, #tpu.memory_space<hbm>>
    %dma_wait3A_83 = arith.constant 0 : i32
    %dma_wait3A_84 = tpu.memref_slice %arg4[%add3A_39, %dma_wait3A_83] : memref<425984x32xf32, #tpu.memory_space<hbm>> -> memref<832x32xf32, #tpu.memory_space<hbm>>
    %dma_wait3A_85 = arith.constant 0 : i32
    %dma_wait3A_86 = arith.constant 0 : i32
    %dma_wait3A_87 = tpu.memref_slice %arg6[%dma_wait3A_85, %dma_wait3A_86] : memref<3328x32xf32, #tpu.memory_space<vmem>> -> memref<832x32xf32, #tpu.memory_space<vmem>>
    tpu.wait_dma2 semaphore(%arg8 : memref<!tpu.dma_semaphore, #tpu.memory_space<semaphore_mem>>) src(%dma_wait3A_87 : memref<832x32xf32, #tpu.memory_space<vmem>>) dst(%dma_wait3A_84 : memref<832x32xf32, #tpu.memory_space<hbm>>)
    %dma_start3A_88 = arith.constant 0 : i32
    %dma_start3A_89 = arith.constant 0 : i32
    %dma_start3A_90 = tpu.memref_slice %arg6[%dma_start3A_88, %dma_start3A_89] : memref<3328x32xf32, #tpu.memory_space<vmem>> -> memref<832x32xf32, #tpu.memory_space<vmem>>
    %dma_start3A_91 = arith.constant 3328 : i32
    %dma_start3A_92 = tpu.memref_slice %arg5[%dma_start3A_91] : memref<13312xi32, #tpu.memory_space<vmem>> -> memref<832xi32, #tpu.memory_space<vmem>>
    %dma_start3A_93 = arith.constant 0 : i32
    %dma_start3A_94 = arith.constant 0 : i32
    %dma_start3A_95 = tpu.memref_slice %arg3[%dma_start3A_93, %dma_start3A_94] : memref<1003520x32xf32, #tpu.memory_space<hbm>> -> memref<1003520x32xf32, #tpu.memory_space<hbm>>
    tpu.enqueue_indirect_dma source(%dma_start3A_95 : memref<1003520x32xf32, #tpu.memory_space<hbm>>) target(%dma_start3A_90 : memref<832x32xf32, #tpu.memory_space<vmem>>) offsets(%dma_start3A_92 : memref<832xi32, #tpu.memory_space<vmem>>) semaphore(%arg7 : memref<!tpu.dma_semaphore, #tpu.memory_space<semaphore_mem>>)
    %dma_wait3A_96 = arith.constant 1664 : i32
    %dma_wait3A_97 = arith.constant 0 : i32
    %dma_wait3A_98 = tpu.memref_slice %arg6[%dma_wait3A_96, %dma_wait3A_97] : memref<3328x32xf32, #tpu.memory_space<vmem>> -> memref<832x32xf32, #tpu.memory_space<vmem>>
    %dma_wait3A_99 = arith.constant 1664 : i32
    %dma_wait3A_100 = tpu.memref_slice %arg5[%dma_wait3A_99] : memref<13312xi32, #tpu.memory_space<vmem>> -> memref<832xi32, #tpu.memory_space<vmem>>
    %dma_wait3A_101 = arith.constant 0 : i32
    %dma_wait3A_102 = arith.constant 0 : i32
    %dma_wait3A_103 = tpu.memref_slice %arg3[%dma_wait3A_101, %dma_wait3A_102] : memref<1003520x32xf32, #tpu.memory_space<hbm>> -> memref<1003520x32xf32, #tpu.memory_space<hbm>>
    tpu.wait_indirect_dma semaphore(%arg7 : memref<!tpu.dma_semaphore, #tpu.memory_space<semaphore_mem>>) src(%dma_wait3A_103 : memref<1003520x32xf32, #tpu.memory_space<hbm>>) dst(%dma_wait3A_98 : memref<832x32xf32, #tpu.memory_space<vmem>>)
    %add3A_104 = arith.constant 1664 : i32
    %add3A_105 = arith.addi %mul3A_2, %add3A_104 : i32
    %dma_start3A_106 = arith.constant 1664 : i32
    %dma_start3A_107 = arith.constant 0 : i32
    %dma_start3A_108 = tpu.memref_slice %arg6[%dma_start3A_106, %dma_start3A_107] : memref<3328x32xf32, #tpu.memory_space<vmem>> -> memref<832x32xf32, #tpu.memory_space<vmem>>
    %dma_start3A_109 = arith.constant 0 : i32
    %dma_start3A_110 = tpu.memref_slice %arg4[%add3A_105, %dma_start3A_109] : memref<425984x32xf32, #tpu.memory_space<hbm>> -> memref<832x32xf32, #tpu.memory_space<hbm>>
    %dma_start3A_111 = arith.constant 0 : i32
    %dma_start3A_112 = tpu.memref_slice %arg4[%add3A_105, %dma_start3A_111] : memref<425984x32xf32, #tpu.memory_space<hbm>> -> memref<832x32xf32, #tpu.memory_space<hbm>>
    %dma_start3A_113 = arith.constant 1664 : i32
    %dma_start3A_114 = arith.constant 0 : i32
    %dma_start3A_115 = tpu.memref_slice %arg6[%dma_start3A_113, %dma_start3A_114] : memref<3328x32xf32, #tpu.memory_space<vmem>> -> memref<832x32xf32, #tpu.memory_space<vmem>>
    tpu.enqueue_dma source(%dma_start3A_115 : memref<832x32xf32, #tpu.memory_space<vmem>>) target(%dma_start3A_112 : memref<832x32xf32, #tpu.memory_space<hbm>>) target_semaphore(%arg8 : memref<!tpu.dma_semaphore, #tpu.memory_space<semaphore_mem>>)
    %dma_wait3A_116 = arith.constant 832 : i32
    %dma_wait3A_117 = arith.constant 0 : i32
    %dma_wait3A_118 = tpu.memref_slice %arg6[%dma_wait3A_116, %dma_wait3A_117] : memref<3328x32xf32, #tpu.memory_space<vmem>> -> memref<832x32xf32, #tpu.memory_space<vmem>>
    %dma_wait3A_119 = arith.constant 0 : i32
    %dma_wait3A_120 = tpu.memref_slice %arg4[%add3A_67, %dma_wait3A_119] : memref<425984x32xf32, #tpu.memory_space<hbm>> -> memref<832x32xf32, #tpu.memory_space<hbm>>
    %dma_wait3A_121 = arith.constant 0 : i32
    %dma_wait3A_122 = tpu.memref_slice %arg4[%add3A_67, %dma_wait3A_121] : memref<425984x32xf32, #tpu.memory_space<hbm>> -> memref<832x32xf32, #tpu.memory_space<hbm>>
    %dma_wait3A_123 = arith.constant 832 : i32
    %dma_wait3A_124 = arith.constant 0 : i32
    %dma_wait3A_125 = tpu.memref_slice %arg6[%dma_wait3A_123, %dma_wait3A_124] : memref<3328x32xf32, #tpu.memory_space<vmem>> -> memref<832x32xf32, #tpu.memory_space<vmem>>
    tpu.wait_dma2 semaphore(%arg8 : memref<!tpu.dma_semaphore, #tpu.memory_space<semaphore_mem>>) src(%dma_wait3A_125 : memref<832x32xf32, #tpu.memory_space<vmem>>) dst(%dma_wait3A_122 : memref<832x32xf32, #tpu.memory_space<hbm>>)
    %dma_start3A_126 = arith.constant 832 : i32
    %dma_start3A_127 = arith.constant 0 : i32
    %dma_start3A_128 = tpu.memref_slice %arg6[%dma_start3A_126, %dma_start3A_127] : memref<3328x32xf32, #tpu.memory_space<vmem>> -> memref<832x32xf32, #tpu.memory_space<vmem>>
    %dma_start3A_129 = arith.constant 4160 : i32
    %dma_start3A_130 = tpu.memref_slice %arg5[%dma_start3A_129] : memref<13312xi32, #tpu.memory_space<vmem>> -> memref<832xi32, #tpu.memory_space<vmem>>
    %dma_start3A_131 = arith.constant 0 : i32
    %dma_start3A_132 = arith.constant 0 : i32
    %dma_start3A_133 = tpu.memref_slice %arg3[%dma_start3A_131, %dma_start3A_132] : memref<1003520x32xf32, #tpu.memory_space<hbm>> -> memref<1003520x32xf32, #tpu.memory_space<hbm>>
    tpu.enqueue_indirect_dma source(%dma_start3A_133 : memref<1003520x32xf32, #tpu.memory_space<hbm>>) target(%dma_start3A_128 : memref<832x32xf32, #tpu.memory_space<vmem>>) offsets(%dma_start3A_130 : memref<832xi32, #tpu.memory_space<vmem>>) semaphore(%arg7 : memref<!tpu.dma_semaphore, #tpu.memory_space<semaphore_mem>>)
    %dma_wait3A_134 = arith.constant 2496 : i32
    %dma_wait3A_135 = arith.constant 0 : i32
    %dma_wait3A_136 = tpu.memref_slice %arg6[%dma_wait3A_134, %dma_wait3A_135] : memref<3328x32xf32, #tpu.memory_space<vmem>> -> memref<832x32xf32, #tpu.memory_space<vmem>>
    %dma_wait3A_137 = arith.constant 2496 : i32
    %dma_wait3A_138 = tpu.memref_slice %arg5[%dma_wait3A_137] : memref<13312xi32, #tpu.memory_space<vmem>> -> memref<832xi32, #tpu.memory_space<vmem>>
    %dma_wait3A_139 = arith.constant 0 : i32
    %dma_wait3A_140 = arith.constant 0 : i32
    %dma_wait3A_141 = tpu.memref_slice %arg3[%dma_wait3A_139, %dma_wait3A_140] : memref<1003520x32xf32, #tpu.memory_space<hbm>> -> memref<1003520x32xf32, #tpu.memory_space<hbm>>
    tpu.wait_indirect_dma semaphore(%arg7 : memref<!tpu.dma_semaphore, #tpu.memory_space<semaphore_mem>>) src(%dma_wait3A_141 : memref<1003520x32xf32, #tpu.memory_space<hbm>>) dst(%dma_wait3A_136 : memref<832x32xf32, #tpu.memory_space<vmem>>)
    %add3A_142 = arith.constant 2496 : i32
    %add3A_143 = arith.addi %mul3A_2, %add3A_142 : i32
    %dma_start3A_144 = arith.constant 2496 : i32
    %dma_start3A_145 = arith.constant 0 : i32
    %dma_start3A_146 = tpu.memref_slice %arg6[%dma_start3A_144, %dma_start3A_145] : memref<3328x32xf32, #tpu.memory_space<vmem>> -> memref<832x32xf32, #tpu.memory_space<vmem>>
    %dma_start3A_147 = arith.constant 0 : i32
    %dma_start3A_148 = tpu.memref_slice %arg4[%add3A_143, %dma_start3A_147] : memref<425984x32xf32, #tpu.memory_space<hbm>> -> memref<832x32xf32, #tpu.memory_space<hbm>>
    %dma_start3A_149 = arith.constant 0 : i32
    %dma_start3A_150 = tpu.memref_slice %arg4[%add3A_143, %dma_start3A_149] : memref<425984x32xf32, #tpu.memory_space<hbm>> -> memref<832x32xf32, #tpu.memory_space<hbm>>
    %dma_start3A_151 = arith.constant 2496 : i32
    %dma_start3A_152 = arith.constant 0 : i32
    %dma_start3A_153 = tpu.memref_slice %arg6[%dma_start3A_151, %dma_start3A_152] : memref<3328x32xf32, #tpu.memory_space<vmem>> -> memref<832x32xf32, #tpu.memory_space<vmem>>
    tpu.enqueue_dma source(%dma_start3A_153 : memref<832x32xf32, #tpu.memory_space<vmem>>) target(%dma_start3A_150 : memref<832x32xf32, #tpu.memory_space<hbm>>) target_semaphore(%arg8 : memref<!tpu.dma_semaphore, #tpu.memory_space<semaphore_mem>>)
    %dma_wait3A_154 = arith.constant 1664 : i32
    %dma_wait3A_155 = arith.constant 0 : i32
    %dma_wait3A_156 = tpu.memref_slice %arg6[%dma_wait3A_154, %dma_wait3A_155] : memref<3328x32xf32, #tpu.memory_space<vmem>> -> memref<832x32xf32, #tpu.memory_space<vmem>>
    %dma_wait3A_157 = arith.constant 0 : i32
    %dma_wait3A_158 = tpu.memref_slice %arg4[%add3A_105, %dma_wait3A_157] : memref<425984x32xf32, #tpu.memory_space<hbm>> -> memref<832x32xf32, #tpu.memory_space<hbm>>
    %dma_wait3A_159 = arith.constant 0 : i32
    %dma_wait3A_160 = tpu.memref_slice %arg4[%add3A_105, %dma_wait3A_159] : memref<425984x32xf32, #tpu.memory_space<hbm>> -> memref<832x32xf32, #tpu.memory_space<hbm>>
    %dma_wait3A_161 = arith.constant 1664 : i32
    %dma_wait3A_162 = arith.constant 0 : i32
    %dma_wait3A_163 = tpu.memref_slice %arg6[%dma_wait3A_161, %dma_wait3A_162] : memref<3328x32xf32, #tpu.memory_space<vmem>> -> memref<832x32xf32, #tpu.memory_space<vmem>>
    tpu.wait_dma2 semaphore(%arg8 : memref<!tpu.dma_semaphore, #tpu.memory_space<semaphore_mem>>) src(%dma_wait3A_163 : memref<832x32xf32, #tpu.memory_space<vmem>>) dst(%dma_wait3A_160 : memref<832x32xf32, #tpu.memory_space<hbm>>)
    %dma_start3A_164 = arith.constant 1664 : i32
    %dma_start3A_165 = arith.constant 0 : i32
    %dma_start3A_166 = tpu.memref_slice %arg6[%dma_start3A_164, %dma_start3A_165] : memref<3328x32xf32, #tpu.memory_space<vmem>> -> memref<832x32xf32, #tpu.memory_space<vmem>>
    %dma_start3A_167 = arith.constant 4992 : i32
    %dma_start3A_168 = tpu.memref_slice %arg5[%dma_start3A_167] : memref<13312xi32, #tpu.memory_space<vmem>> -> memref<832xi32, #tpu.memory_space<vmem>>
    %dma_start3A_169 = arith.constant 0 : i32
    %dma_start3A_170 = arith.constant 0 : i32
    %dma_start3A_171 = tpu.memref_slice %arg3[%dma_start3A_169, %dma_start3A_170] : memref<1003520x32xf32, #tpu.memory_space<hbm>> -> memref<1003520x32xf32, #tpu.memory_space<hbm>>
    tpu.enqueue_indirect_dma source(%dma_start3A_171 : memref<1003520x32xf32, #tpu.memory_space<hbm>>) target(%dma_start3A_166 : memref<832x32xf32, #tpu.memory_space<vmem>>) offsets(%dma_start3A_168 : memref<832xi32, #tpu.memory_space<vmem>>) semaphore(%arg7 : memref<!tpu.dma_semaphore, #tpu.memory_space<semaphore_mem>>)
    %dma_wait3A_172 = arith.constant 0 : i32
    %dma_wait3A_173 = arith.constant 0 : i32
    %dma_wait3A_174 = tpu.memref_slice %arg6[%dma_wait3A_172, %dma_wait3A_173] : memref<3328x32xf32, #tpu.memory_space<vmem>> -> memref<832x32xf32, #tpu.memory_space<vmem>>
    %dma_wait3A_175 = arith.constant 3328 : i32
    %dma_wait3A_176 = tpu.memref_slice %arg5[%dma_wait3A_175] : memref<13312xi32, #tpu.memory_space<vmem>> -> memref<832xi32, #tpu.memory_space<vmem>>
    %dma_wait3A_177 = arith.constant 0 : i32
    %dma_wait3A_178 = arith.constant 0 : i32
    %dma_wait3A_179 = tpu.memref_slice %arg3[%dma_wait3A_177, %dma_wait3A_178] : memref<1003520x32xf32, #tpu.memory_space<hbm>> -> memref<1003520x32xf32, #tpu.memory_space<hbm>>
    tpu.wait_indirect_dma semaphore(%arg7 : memref<!tpu.dma_semaphore, #tpu.memory_space<semaphore_mem>>) src(%dma_wait3A_179 : memref<1003520x32xf32, #tpu.memory_space<hbm>>) dst(%dma_wait3A_174 : memref<832x32xf32, #tpu.memory_space<vmem>>)
    %add3A_180 = arith.constant 3328 : i32
    %add3A_181 = arith.addi %mul3A_2, %add3A_180 : i32
    %dma_start3A_182 = arith.constant 0 : i32
    %dma_start3A_183 = arith.constant 0 : i32
    %dma_start3A_184 = tpu.memref_slice %arg6[%dma_start3A_182, %dma_start3A_183] : memref<3328x32xf32, #tpu.memory_space<vmem>> -> memref<832x32xf32, #tpu.memory_space<vmem>>
    %dma_start3A_185 = arith.constant 0 : i32
    %dma_start3A_186 = tpu.memref_slice %arg4[%add3A_181, %dma_start3A_185] : memref<425984x32xf32, #tpu.memory_space<hbm>> -> memref<832x32xf32, #tpu.memory_space<hbm>>
    %dma_start3A_187 = arith.constant 0 : i32
    %dma_start3A_188 = tpu.memref_slice %arg4[%add3A_181, %dma_start3A_187] : memref<425984x32xf32, #tpu.memory_space<hbm>> -> memref<832x32xf32, #tpu.memory_space<hbm>>
    %dma_start3A_189 = arith.constant 0 : i32
    %dma_start3A_190 = arith.constant 0 : i32
    %dma_start3A_191 = tpu.memref_slice %arg6[%dma_start3A_189, %dma_start3A_190] : memref<3328x32xf32, #tpu.memory_space<vmem>> -> memref<832x32xf32, #tpu.memory_space<vmem>>
    tpu.enqueue_dma source(%dma_start3A_191 : memref<832x32xf32, #tpu.memory_space<vmem>>) target(%dma_start3A_188 : memref<832x32xf32, #tpu.memory_space<hbm>>) target_semaphore(%arg8 : memref<!tpu.dma_semaphore, #tpu.memory_space<semaphore_mem>>)
    %dma_wait3A_192 = arith.constant 2496 : i32
    %dma_wait3A_193 = arith.constant 0 : i32
    %dma_wait3A_194 = tpu.memref_slice %arg6[%dma_wait3A_192, %dma_wait3A_193] : memref<3328x32xf32, #tpu.memory_space<vmem>> -> memref<832x32xf32, #tpu.memory_space<vmem>>
    %dma_wait3A_195 = arith.constant 0 : i32
    %dma_wait3A_196 = tpu.memref_slice %arg4[%add3A_143, %dma_wait3A_195] : memref<425984x32xf32, #tpu.memory_space<hbm>> -> memref<832x32xf32, #tpu.memory_space<hbm>>
    %dma_wait3A_197 = arith.constant 0 : i32
    %dma_wait3A_198 = tpu.memref_slice %arg4[%add3A_143, %dma_wait3A_197] : memref<425984x32xf32, #tpu.memory_space<hbm>> -> memref<832x32xf32, #tpu.memory_space<hbm>>
    %dma_wait3A_199 = arith.constant 2496 : i32
    %dma_wait3A_200 = arith.constant 0 : i32
    %dma_wait3A_201 = tpu.memref_slice %arg6[%dma_wait3A_199, %dma_wait3A_200] : memref<3328x32xf32, #tpu.memory_space<vmem>> -> memref<832x32xf32, #tpu.memory_space<vmem>>
    tpu.wait_dma2 semaphore(%arg8 : memref<!tpu.dma_semaphore, #tpu.memory_space<semaphore_mem>>) src(%dma_wait3A_201 : memref<832x32xf32, #tpu.memory_space<vmem>>) dst(%dma_wait3A_198 : memref<832x32xf32, #tpu.memory_space<hbm>>)
    %dma_start3A_202 = arith.constant 2496 : i32
    %dma_start3A_203 = arith.constant 0 : i32
    %dma_start3A_204 = tpu.memref_slice %arg6[%dma_start3A_202, %dma_start3A_203] : memref<3328x32xf32, #tpu.memory_space<vmem>> -> memref<832x32xf32, #tpu.memory_space<vmem>>
    %dma_start3A_205 = arith.constant 5824 : i32
    %dma_start3A_206 = tpu.memref_slice %arg5[%dma_start3A_205] : memref<13312xi32, #tpu.memory_space<vmem>> -> memref<832xi32, #tpu.memory_space<vmem>>
    %dma_start3A_207 = arith.constant 0 : i32
    %dma_start3A_208 = arith.constant 0 : i32
    %dma_start3A_209 = tpu.memref_slice %arg3[%dma_start3A_207, %dma_start3A_208] : memref<1003520x32xf32, #tpu.memory_space<hbm>> -> memref<1003520x32xf32, #tpu.memory_space<hbm>>
    tpu.enqueue_indirect_dma source(%dma_start3A_209 : memref<1003520x32xf32, #tpu.memory_space<hbm>>) target(%dma_start3A_204 : memref<832x32xf32, #tpu.memory_space<vmem>>) offsets(%dma_start3A_206 : memref<832xi32, #tpu.memory_space<vmem>>) semaphore(%arg7 : memref<!tpu.dma_semaphore, #tpu.memory_space<semaphore_mem>>)
    %dma_wait3A_210 = arith.constant 832 : i32
    %dma_wait3A_211 = arith.constant 0 : i32
    %dma_wait3A_212 = tpu.memref_slice %arg6[%dma_wait3A_210, %dma_wait3A_211] : memref<3328x32xf32, #tpu.memory_space<vmem>> -> memref<832x32xf32, #tpu.memory_space<vmem>>
    %dma_wait3A_213 = arith.constant 4160 : i32
    %dma_wait3A_214 = tpu.memref_slice %arg5[%dma_wait3A_213] : memref<13312xi32, #tpu.memory_space<vmem>> -> memref<832xi32, #tpu.memory_space<vmem>>
    %dma_wait3A_215 = arith.constant 0 : i32
    %dma_wait3A_216 = arith.constant 0 : i32
    %dma_wait3A_217 = tpu.memref_slice %arg3[%dma_wait3A_215, %dma_wait3A_216] : memref<1003520x32xf32, #tpu.memory_space<hbm>> -> memref<1003520x32xf32, #tpu.memory_space<hbm>>
    tpu.wait_indirect_dma semaphore(%arg7 : memref<!tpu.dma_semaphore, #tpu.memory_space<semaphore_mem>>) src(%dma_wait3A_217 : memref<1003520x32xf32, #tpu.memory_space<hbm>>) dst(%dma_wait3A_212 : memref<832x32xf32, #tpu.memory_space<vmem>>)
    %add3A_218 = arith.constant 4160 : i32
    %add3A_219 = arith.addi %mul3A_2, %add3A_218 : i32
    %dma_start3A_220 = arith.constant 832 : i32
    %dma_start3A_221 = arith.constant 0 : i32
    %dma_start3A_222 = tpu.memref_slice %arg6[%dma_start3A_220, %dma_start3A_221] : memref<3328x32xf32, #tpu.memory_space<vmem>> -> memref<832x32xf32, #tpu.memory_space<vmem>>
    %dma_start3A_223 = arith.constant 0 : i32
    %dma_start3A_224 = tpu.memref_slice %arg4[%add3A_219, %dma_start3A_223] : memref<425984x32xf32, #tpu.memory_space<hbm>> -> memref<832x32xf32, #tpu.memory_space<hbm>>
    %dma_start3A_225 = arith.constant 0 : i32
    %dma_start3A_226 = tpu.memref_slice %arg4[%add3A_219, %dma_start3A_225] : memref<425984x32xf32, #tpu.memory_space<hbm>> -> memref<832x32xf32, #tpu.memory_space<hbm>>
    %dma_start3A_227 = arith.constant 832 : i32
    %dma_start3A_228 = arith.constant 0 : i32
    %dma_start3A_229 = tpu.memref_slice %arg6[%dma_start3A_227, %dma_start3A_228] : memref<3328x32xf32, #tpu.memory_space<vmem>> -> memref<832x32xf32, #tpu.memory_space<vmem>>
    tpu.enqueue_dma source(%dma_start3A_229 : memref<832x32xf32, #tpu.memory_space<vmem>>) target(%dma_start3A_226 : memref<832x32xf32, #tpu.memory_space<hbm>>) target_semaphore(%arg8 : memref<!tpu.dma_semaphore, #tpu.memory_space<semaphore_mem>>)
    %dma_wait3A_230 = arith.constant 0 : i32
    %dma_wait3A_231 = arith.constant 0 : i32
    %dma_wait3A_232 = tpu.memref_slice %arg6[%dma_wait3A_230, %dma_wait3A_231] : memref<3328x32xf32, #tpu.memory_space<vmem>> -> memref<832x32xf32, #tpu.memory_space<vmem>>
    %dma_wait3A_233 = arith.constant 0 : i32
    %dma_wait3A_234 = tpu.memref_slice %arg4[%add3A_181, %dma_wait3A_233] : memref<425984x32xf32, #tpu.memory_space<hbm>> -> memref<832x32xf32, #tpu.memory_space<hbm>>
    %dma_wait3A_235 = arith.constant 0 : i32
    %dma_wait3A_236 = tpu.memref_slice %arg4[%add3A_181, %dma_wait3A_235] : memref<425984x32xf32, #tpu.memory_space<hbm>> -> memref<832x32xf32, #tpu.memory_space<hbm>>
    %dma_wait3A_237 = arith.constant 0 : i32
    %dma_wait3A_238 = arith.constant 0 : i32
    %dma_wait3A_239 = tpu.memref_slice %arg6[%dma_wait3A_237, %dma_wait3A_238] : memref<3328x32xf32, #tpu.memory_space<vmem>> -> memref<832x32xf32, #tpu.memory_space<vmem>>
    tpu.wait_dma2 semaphore(%arg8 : memref<!tpu.dma_semaphore, #tpu.memory_space<semaphore_mem>>) src(%dma_wait3A_239 : memref<832x32xf32, #tpu.memory_space<vmem>>) dst(%dma_wait3A_236 : memref<832x32xf32, #tpu.memory_space<hbm>>)
    %dma_start3A_240 = arith.constant 0 : i32
    %dma_start3A_241 = arith.constant 0 : i32
    %dma_start3A_242 = tpu.memref_slice %arg6[%dma_start3A_240, %dma_start3A_241] : memref<3328x32xf32, #tpu.memory_space<vmem>> -> memref<832x32xf32, #tpu.memory_space<vmem>>
    %dma_start3A_243 = arith.constant 6656 : i32
    %dma_start3A_244 = tpu.memref_slice %arg5[%dma_start3A_243] : memref<13312xi32, #tpu.memory_space<vmem>> -> memref<832xi32, #tpu.memory_space<vmem>>
    %dma_start3A_245 = arith.constant 0 : i32
    %dma_start3A_246 = arith.constant 0 : i32
    %dma_start3A_247 = tpu.memref_slice %arg3[%dma_start3A_245, %dma_start3A_246] : memref<1003520x32xf32, #tpu.memory_space<hbm>> -> memref<1003520x32xf32, #tpu.memory_space<hbm>>
    tpu.enqueue_indirect_dma source(%dma_start3A_247 : memref<1003520x32xf32, #tpu.memory_space<hbm>>) target(%dma_start3A_242 : memref<832x32xf32, #tpu.memory_space<vmem>>) offsets(%dma_start3A_244 : memref<832xi32, #tpu.memory_space<vmem>>) semaphore(%arg7 : memref<!tpu.dma_semaphore, #tpu.memory_space<semaphore_mem>>)
    %dma_wait3A_248 = arith.constant 1664 : i32
    %dma_wait3A_249 = arith.constant 0 : i32
    %dma_wait3A_250 = tpu.memref_slice %arg6[%dma_wait3A_248, %dma_wait3A_249] : memref<3328x32xf32, #tpu.memory_space<vmem>> -> memref<832x32xf32, #tpu.memory_space<vmem>>
    %dma_wait3A_251 = arith.constant 4992 : i32
    %dma_wait3A_252 = tpu.memref_slice %arg5[%dma_wait3A_251] : memref<13312xi32, #tpu.memory_space<vmem>> -> memref<832xi32, #tpu.memory_space<vmem>>
    %dma_wait3A_253 = arith.constant 0 : i32
    %dma_wait3A_254 = arith.constant 0 : i32
    %dma_wait3A_255 = tpu.memref_slice %arg3[%dma_wait3A_253, %dma_wait3A_254] : memref<1003520x32xf32, #tpu.memory_space<hbm>> -> memref<1003520x32xf32, #tpu.memory_space<hbm>>
    tpu.wait_indirect_dma semaphore(%arg7 : memref<!tpu.dma_semaphore, #tpu.memory_space<semaphore_mem>>) src(%dma_wait3A_255 : memref<1003520x32xf32, #tpu.memory_space<hbm>>) dst(%dma_wait3A_250 : memref<832x32xf32, #tpu.memory_space<vmem>>)
    %add3A_256 = arith.constant 4992 : i32
    %add3A_257 = arith.addi %mul3A_2, %add3A_256 : i32
    %dma_start3A_258 = arith.constant 1664 : i32
    %dma_start3A_259 = arith.constant 0 : i32
    %dma_start3A_260 = tpu.memref_slice %arg6[%dma_start3A_258, %dma_start3A_259] : memref<3328x32xf32, #tpu.memory_space<vmem>> -> memref<832x32xf32, #tpu.memory_space<vmem>>
    %dma_start3A_261 = arith.constant 0 : i32
    %dma_start3A_262 = tpu.memref_slice %arg4[%add3A_257, %dma_start3A_261] : memref<425984x32xf32, #tpu.memory_space<hbm>> -> memref<832x32xf32, #tpu.memory_space<hbm>>
    %dma_start3A_263 = arith.constant 0 : i32
    %dma_start3A_264 = tpu.memref_slice %arg4[%add3A_257, %dma_start3A_263] : memref<425984x32xf32, #tpu.memory_space<hbm>> -> memref<832x32xf32, #tpu.memory_space<hbm>>
    %dma_start3A_265 = arith.constant 1664 : i32
    %dma_start3A_266 = arith.constant 0 : i32
    %dma_start3A_267 = tpu.memref_slice %arg6[%dma_start3A_265, %dma_start3A_266] : memref<3328x32xf32, #tpu.memory_space<vmem>> -> memref<832x32xf32, #tpu.memory_space<vmem>>
    tpu.enqueue_dma source(%dma_start3A_267 : memref<832x32xf32, #tpu.memory_space<vmem>>) target(%dma_start3A_264 : memref<832x32xf32, #tpu.memory_space<hbm>>) target_semaphore(%arg8 : memref<!tpu.dma_semaphore, #tpu.memory_space<semaphore_mem>>)
    %dma_wait3A_268 = arith.constant 832 : i32
    %dma_wait3A_269 = arith.constant 0 : i32
    %dma_wait3A_270 = tpu.memref_slice %arg6[%dma_wait3A_268, %dma_wait3A_269] : memref<3328x32xf32, #tpu.memory_space<vmem>> -> memref<832x32xf32, #tpu.memory_space<vmem>>
    %dma_wait3A_271 = arith.constant 0 : i32
    %dma_wait3A_272 = tpu.memref_slice %arg4[%add3A_219, %dma_wait3A_271] : memref<425984x32xf32, #tpu.memory_space<hbm>> -> memref<832x32xf32, #tpu.memory_space<hbm>>
    %dma_wait3A_273 = arith.constant 0 : i32
    %dma_wait3A_274 = tpu.memref_slice %arg4[%add3A_219, %dma_wait3A_273] : memref<425984x32xf32, #tpu.memory_space<hbm>> -> memref<832x32xf32, #tpu.memory_space<hbm>>
    %dma_wait3A_275 = arith.constant 832 : i32
    %dma_wait3A_276 = arith.constant 0 : i32
    %dma_wait3A_277 = tpu.memref_slice %arg6[%dma_wait3A_275, %dma_wait3A_276] : memref<3328x32xf32, #tpu.memory_space<vmem>> -> memref<832x32xf32, #tpu.memory_space<vmem>>
    tpu.wait_dma2 semaphore(%arg8 : memref<!tpu.dma_semaphore, #tpu.memory_space<semaphore_mem>>) src(%dma_wait3A_277 : memref<832x32xf32, #tpu.memory_space<vmem>>) dst(%dma_wait3A_274 : memref<832x32xf32, #tpu.memory_space<hbm>>)
    %dma_start3A_278 = arith.constant 832 : i32
    %dma_start3A_279 = arith.constant 0 : i32
    %dma_start3A_280 = tpu.memref_slice %arg6[%dma_start3A_278, %dma_start3A_279] : memref<3328x32xf32, #tpu.memory_space<vmem>> -> memref<832x32xf32, #tpu.memory_space<vmem>>
    %dma_start3A_281 = arith.constant 7488 : i32
    %dma_start3A_282 = tpu.memref_slice %arg5[%dma_start3A_281] : memref<13312xi32, #tpu.memory_space<vmem>> -> memref<832xi32, #tpu.memory_space<vmem>>
    %dma_start3A_283 = arith.constant 0 : i32
    %dma_start3A_284 = arith.constant 0 : i32
    %dma_start3A_285 = tpu.memref_slice %arg3[%dma_start3A_283, %dma_start3A_284] : memref<1003520x32xf32, #tpu.memory_space<hbm>> -> memref<1003520x32xf32, #tpu.memory_space<hbm>>
    tpu.enqueue_indirect_dma source(%dma_start3A_285 : memref<1003520x32xf32, #tpu.memory_space<hbm>>) target(%dma_start3A_280 : memref<832x32xf32, #tpu.memory_space<vmem>>) offsets(%dma_start3A_282 : memref<832xi32, #tpu.memory_space<vmem>>) semaphore(%arg7 : memref<!tpu.dma_semaphore, #tpu.memory_space<semaphore_mem>>)
    %dma_wait3A_286 = arith.constant 2496 : i32
    %dma_wait3A_287 = arith.constant 0 : i32
    %dma_wait3A_288 = tpu.memref_slice %arg6[%dma_wait3A_286, %dma_wait3A_287] : memref<3328x32xf32, #tpu.memory_space<vmem>> -> memref<832x32xf32, #tpu.memory_space<vmem>>
    %dma_wait3A_289 = arith.constant 5824 : i32
    %dma_wait3A_290 = tpu.memref_slice %arg5[%dma_wait3A_289] : memref<13312xi32, #tpu.memory_space<vmem>> -> memref<832xi32, #tpu.memory_space<vmem>>
    %dma_wait3A_291 = arith.constant 0 : i32
    %dma_wait3A_292 = arith.constant 0 : i32
    %dma_wait3A_293 = tpu.memref_slice %arg3[%dma_wait3A_291, %dma_wait3A_292] : memref<1003520x32xf32, #tpu.memory_space<hbm>> -> memref<1003520x32xf32, #tpu.memory_space<hbm>>
    tpu.wait_indirect_dma semaphore(%arg7 : memref<!tpu.dma_semaphore, #tpu.memory_space<semaphore_mem>>) src(%dma_wait3A_293 : memref<1003520x32xf32, #tpu.memory_space<hbm>>) dst(%dma_wait3A_288 : memref<832x32xf32, #tpu.memory_space<vmem>>)
    %add3A_294 = arith.constant 5824 : i32
    %add3A_295 = arith.addi %mul3A_2, %add3A_294 : i32
    %dma_start3A_296 = arith.constant 2496 : i32
    %dma_start3A_297 = arith.constant 0 : i32
    %dma_start3A_298 = tpu.memref_slice %arg6[%dma_start3A_296, %dma_start3A_297] : memref<3328x32xf32, #tpu.memory_space<vmem>> -> memref<832x32xf32, #tpu.memory_space<vmem>>
    %dma_start3A_299 = arith.constant 0 : i32
    %dma_start3A_300 = tpu.memref_slice %arg4[%add3A_295, %dma_start3A_299] : memref<425984x32xf32, #tpu.memory_space<hbm>> -> memref<832x32xf32, #tpu.memory_space<hbm>>
    %dma_start3A_301 = arith.constant 0 : i32
    %dma_start3A_302 = tpu.memref_slice %arg4[%add3A_295, %dma_start3A_301] : memref<425984x32xf32, #tpu.memory_space<hbm>> -> memref<832x32xf32, #tpu.memory_space<hbm>>
    %dma_start3A_303 = arith.constant 2496 : i32
    %dma_start3A_304 = arith.constant 0 : i32
    %dma_start3A_305 = tpu.memref_slice %arg6[%dma_start3A_303, %dma_start3A_304] : memref<3328x32xf32, #tpu.memory_space<vmem>> -> memref<832x32xf32, #tpu.memory_space<vmem>>
    tpu.enqueue_dma source(%dma_start3A_305 : memref<832x32xf32, #tpu.memory_space<vmem>>) target(%dma_start3A_302 : memref<832x32xf32, #tpu.memory_space<hbm>>) target_semaphore(%arg8 : memref<!tpu.dma_semaphore, #tpu.memory_space<semaphore_mem>>)
    %dma_wait3A_306 = arith.constant 1664 : i32
    %dma_wait3A_307 = arith.constant 0 : i32
    %dma_wait3A_308 = tpu.memref_slice %arg6[%dma_wait3A_306, %dma_wait3A_307] : memref<3328x32xf32, #tpu.memory_space<vmem>> -> memref<832x32xf32, #tpu.memory_space<vmem>>
    %dma_wait3A_309 = arith.constant 0 : i32
    %dma_wait3A_310 = tpu.memref_slice %arg4[%add3A_257, %dma_wait3A_309] : memref<425984x32xf32, #tpu.memory_space<hbm>> -> memref<832x32xf32, #tpu.memory_space<hbm>>
    %dma_wait3A_311 = arith.constant 0 : i32
    %dma_wait3A_312 = tpu.memref_slice %arg4[%add3A_257, %dma_wait3A_311] : memref<425984x32xf32, #tpu.memory_space<hbm>> -> memref<832x32xf32, #tpu.memory_space<hbm>>
    %dma_wait3A_313 = arith.constant 1664 : i32
    %dma_wait3A_314 = arith.constant 0 : i32
    %dma_wait3A_315 = tpu.memref_slice %arg6[%dma_wait3A_313, %dma_wait3A_314] : memref<3328x32xf32, #tpu.memory_space<vmem>> -> memref<832x32xf32, #tpu.memory_space<vmem>>
    tpu.wait_dma2 semaphore(%arg8 : memref<!tpu.dma_semaphore, #tpu.memory_space<semaphore_mem>>) src(%dma_wait3A_315 : memref<832x32xf32, #tpu.memory_space<vmem>>) dst(%dma_wait3A_312 : memref<832x32xf32, #tpu.memory_space<hbm>>)
    %dma_start3A_316 = arith.constant 1664 : i32
    %dma_start3A_317 = arith.constant 0 : i32
    %dma_start3A_318 = tpu.memref_slice %arg6[%dma_start3A_316, %dma_start3A_317] : memref<3328x32xf32, #tpu.memory_space<vmem>> -> memref<832x32xf32, #tpu.memory_space<vmem>>
    %dma_start3A_319 = arith.constant 8320 : i32
    %dma_start3A_320 = tpu.memref_slice %arg5[%dma_start3A_319] : memref<13312xi32, #tpu.memory_space<vmem>> -> memref<832xi32, #tpu.memory_space<vmem>>
    %dma_start3A_321 = arith.constant 0 : i32
    %dma_start3A_322 = arith.constant 0 : i32
    %dma_start3A_323 = tpu.memref_slice %arg3[%dma_start3A_321, %dma_start3A_322] : memref<1003520x32xf32, #tpu.memory_space<hbm>> -> memref<1003520x32xf32, #tpu.memory_space<hbm>>
    tpu.enqueue_indirect_dma source(%dma_start3A_323 : memref<1003520x32xf32, #tpu.memory_space<hbm>>) target(%dma_start3A_318 : memref<832x32xf32, #tpu.memory_space<vmem>>) offsets(%dma_start3A_320 : memref<832xi32, #tpu.memory_space<vmem>>) semaphore(%arg7 : memref<!tpu.dma_semaphore, #tpu.memory_space<semaphore_mem>>)
    %dma_wait3A_324 = arith.constant 0 : i32
    %dma_wait3A_325 = arith.constant 0 : i32
    %dma_wait3A_326 = tpu.memref_slice %arg6[%dma_wait3A_324, %dma_wait3A_325] : memref<3328x32xf32, #tpu.memory_space<vmem>> -> memref<832x32xf32, #tpu.memory_space<vmem>>
    %dma_wait3A_327 = arith.constant 6656 : i32
    %dma_wait3A_328 = tpu.memref_slice %arg5[%dma_wait3A_327] : memref<13312xi32, #tpu.memory_space<vmem>> -> memref<832xi32, #tpu.memory_space<vmem>>
    %dma_wait3A_329 = arith.constant 0 : i32
    %dma_wait3A_330 = arith.constant 0 : i32
    %dma_wait3A_331 = tpu.memref_slice %arg3[%dma_wait3A_329, %dma_wait3A_330] : memref<1003520x32xf32, #tpu.memory_space<hbm>> -> memref<1003520x32xf32, #tpu.memory_space<hbm>>
    tpu.wait_indirect_dma semaphore(%arg7 : memref<!tpu.dma_semaphore, #tpu.memory_space<semaphore_mem>>) src(%dma_wait3A_331 : memref<1003520x32xf32, #tpu.memory_space<hbm>>) dst(%dma_wait3A_326 : memref<832x32xf32, #tpu.memory_space<vmem>>)
    %add3A_332 = arith.constant 6656 : i32
    %add3A_333 = arith.addi %mul3A_2, %add3A_332 : i32
    %dma_start3A_334 = arith.constant 0 : i32
    %dma_start3A_335 = arith.constant 0 : i32
    %dma_start3A_336 = tpu.memref_slice %arg6[%dma_start3A_334, %dma_start3A_335] : memref<3328x32xf32, #tpu.memory_space<vmem>> -> memref<832x32xf32, #tpu.memory_space<vmem>>
    %dma_start3A_337 = arith.constant 0 : i32
    %dma_start3A_338 = tpu.memref_slice %arg4[%add3A_333, %dma_start3A_337] : memref<425984x32xf32, #tpu.memory_space<hbm>> -> memref<832x32xf32, #tpu.memory_space<hbm>>
    %dma_start3A_339 = arith.constant 0 : i32
    %dma_start3A_340 = tpu.memref_slice %arg4[%add3A_333, %dma_start3A_339] : memref<425984x32xf32, #tpu.memory_space<hbm>> -> memref<832x32xf32, #tpu.memory_space<hbm>>
    %dma_start3A_341 = arith.constant 0 : i32
    %dma_start3A_342 = arith.constant 0 : i32
    %dma_start3A_343 = tpu.memref_slice %arg6[%dma_start3A_341, %dma_start3A_342] : memref<3328x32xf32, #tpu.memory_space<vmem>> -> memref<832x32xf32, #tpu.memory_space<vmem>>
    tpu.enqueue_dma source(%dma_start3A_343 : memref<832x32xf32, #tpu.memory_space<vmem>>) target(%dma_start3A_340 : memref<832x32xf32, #tpu.memory_space<hbm>>) target_semaphore(%arg8 : memref<!tpu.dma_semaphore, #tpu.memory_space<semaphore_mem>>)
    %dma_wait3A_344 = arith.constant 2496 : i32
    %dma_wait3A_345 = arith.constant 0 : i32
    %dma_wait3A_346 = tpu.memref_slice %arg6[%dma_wait3A_344, %dma_wait3A_345] : memref<3328x32xf32, #tpu.memory_space<vmem>> -> memref<832x32xf32, #tpu.memory_space<vmem>>
    %dma_wait3A_347 = arith.constant 0 : i32
    %dma_wait3A_348 = tpu.memref_slice %arg4[%add3A_295, %dma_wait3A_347] : memref<425984x32xf32, #tpu.memory_space<hbm>> -> memref<832x32xf32, #tpu.memory_space<hbm>>
    %dma_wait3A_349 = arith.constant 0 : i32
    %dma_wait3A_350 = tpu.memref_slice %arg4[%add3A_295, %dma_wait3A_349] : memref<425984x32xf32, #tpu.memory_space<hbm>> -> memref<832x32xf32, #tpu.memory_space<hbm>>
    %dma_wait3A_351 = arith.constant 2496 : i32
    %dma_wait3A_352 = arith.constant 0 : i32
    %dma_wait3A_353 = tpu.memref_slice %arg6[%dma_wait3A_351, %dma_wait3A_352] : memref<3328x32xf32, #tpu.memory_space<vmem>> -> memref<832x32xf32, #tpu.memory_space<vmem>>
    tpu.wait_dma2 semaphore(%arg8 : memref<!tpu.dma_semaphore, #tpu.memory_space<semaphore_mem>>) src(%dma_wait3A_353 : memref<832x32xf32, #tpu.memory_space<vmem>>) dst(%dma_wait3A_350 : memref<832x32xf32, #tpu.memory_space<hbm>>)
    %dma_start3A_354 = arith.constant 2496 : i32
    %dma_start3A_355 = arith.constant 0 : i32
    %dma_start3A_356 = tpu.memref_slice %arg6[%dma_start3A_354, %dma_start3A_355] : memref<3328x32xf32, #tpu.memory_space<vmem>> -> memref<832x32xf32, #tpu.memory_space<vmem>>
    %dma_start3A_357 = arith.constant 9152 : i32
    %dma_start3A_358 = tpu.memref_slice %arg5[%dma_start3A_357] : memref<13312xi32, #tpu.memory_space<vmem>> -> memref<832xi32, #tpu.memory_space<vmem>>
    %dma_start3A_359 = arith.constant 0 : i32
    %dma_start3A_360 = arith.constant 0 : i32
    %dma_start3A_361 = tpu.memref_slice %arg3[%dma_start3A_359, %dma_start3A_360] : memref<1003520x32xf32, #tpu.memory_space<hbm>> -> memref<1003520x32xf32, #tpu.memory_space<hbm>>
    tpu.enqueue_indirect_dma source(%dma_start3A_361 : memref<1003520x32xf32, #tpu.memory_space<hbm>>) target(%dma_start3A_356 : memref<832x32xf32, #tpu.memory_space<vmem>>) offsets(%dma_start3A_358 : memref<832xi32, #tpu.memory_space<vmem>>) semaphore(%arg7 : memref<!tpu.dma_semaphore, #tpu.memory_space<semaphore_mem>>)
    %dma_wait3A_362 = arith.constant 832 : i32
    %dma_wait3A_363 = arith.constant 0 : i32
    %dma_wait3A_364 = tpu.memref_slice %arg6[%dma_wait3A_362, %dma_wait3A_363] : memref<3328x32xf32, #tpu.memory_space<vmem>> -> memref<832x32xf32, #tpu.memory_space<vmem>>
    %dma_wait3A_365 = arith.constant 7488 : i32
    %dma_wait3A_366 = tpu.memref_slice %arg5[%dma_wait3A_365] : memref<13312xi32, #tpu.memory_space<vmem>> -> memref<832xi32, #tpu.memory_space<vmem>>
    %dma_wait3A_367 = arith.constant 0 : i32
    %dma_wait3A_368 = arith.constant 0 : i32
    %dma_wait3A_369 = tpu.memref_slice %arg3[%dma_wait3A_367, %dma_wait3A_368] : memref<1003520x32xf32, #tpu.memory_space<hbm>> -> memref<1003520x32xf32, #tpu.memory_space<hbm>>
    tpu.wait_indirect_dma semaphore(%arg7 : memref<!tpu.dma_semaphore, #tpu.memory_space<semaphore_mem>>) src(%dma_wait3A_369 : memref<1003520x32xf32, #tpu.memory_space<hbm>>) dst(%dma_wait3A_364 : memref<832x32xf32, #tpu.memory_space<vmem>>)
    %add3A_370 = arith.constant 7488 : i32
    %add3A_371 = arith.addi %mul3A_2, %add3A_370 : i32
    %dma_start3A_372 = arith.constant 832 : i32
    %dma_start3A_373 = arith.constant 0 : i32
    %dma_start3A_374 = tpu.memref_slice %arg6[%dma_start3A_372, %dma_start3A_373] : memref<3328x32xf32, #tpu.memory_space<vmem>> -> memref<832x32xf32, #tpu.memory_space<vmem>>
    %dma_start3A_375 = arith.constant 0 : i32
    %dma_start3A_376 = tpu.memref_slice %arg4[%add3A_371, %dma_start3A_375] : memref<425984x32xf32, #tpu.memory_space<hbm>> -> memref<832x32xf32, #tpu.memory_space<hbm>>
    %dma_start3A_377 = arith.constant 0 : i32
    %dma_start3A_378 = tpu.memref_slice %arg4[%add3A_371, %dma_start3A_377] : memref<425984x32xf32, #tpu.memory_space<hbm>> -> memref<832x32xf32, #tpu.memory_space<hbm>>
    %dma_start3A_379 = arith.constant 832 : i32
    %dma_start3A_380 = arith.constant 0 : i32
    %dma_start3A_381 = tpu.memref_slice %arg6[%dma_start3A_379, %dma_start3A_380] : memref<3328x32xf32, #tpu.memory_space<vmem>> -> memref<832x32xf32, #tpu.memory_space<vmem>>
    tpu.enqueue_dma source(%dma_start3A_381 : memref<832x32xf32, #tpu.memory_space<vmem>>) target(%dma_start3A_378 : memref<832x32xf32, #tpu.memory_space<hbm>>) target_semaphore(%arg8 : memref<!tpu.dma_semaphore, #tpu.memory_space<semaphore_mem>>)
    %dma_wait3A_382 = arith.constant 0 : i32
    %dma_wait3A_383 = arith.constant 0 : i32
    %dma_wait3A_384 = tpu.memref_slice %arg6[%dma_wait3A_382, %dma_wait3A_383] : memref<3328x32xf32, #tpu.memory_space<vmem>> -> memref<832x32xf32, #tpu.memory_space<vmem>>
    %dma_wait3A_385 = arith.constant 0 : i32
    %dma_wait3A_386 = tpu.memref_slice %arg4[%add3A_333, %dma_wait3A_385] : memref<425984x32xf32, #tpu.memory_space<hbm>> -> memref<832x32xf32, #tpu.memory_space<hbm>>
    %dma_wait3A_387 = arith.constant 0 : i32
    %dma_wait3A_388 = tpu.memref_slice %arg4[%add3A_333, %dma_wait3A_387] : memref<425984x32xf32, #tpu.memory_space<hbm>> -> memref<832x32xf32, #tpu.memory_space<hbm>>
    %dma_wait3A_389 = arith.constant 0 : i32
    %dma_wait3A_390 = arith.constant 0 : i32
    %dma_wait3A_391 = tpu.memref_slice %arg6[%dma_wait3A_389, %dma_wait3A_390] : memref<3328x32xf32, #tpu.memory_space<vmem>> -> memref<832x32xf32, #tpu.memory_space<vmem>>
    tpu.wait_dma2 semaphore(%arg8 : memref<!tpu.dma_semaphore, #tpu.memory_space<semaphore_mem>>) src(%dma_wait3A_391 : memref<832x32xf32, #tpu.memory_space<vmem>>) dst(%dma_wait3A_388 : memref<832x32xf32, #tpu.memory_space<hbm>>)
    %dma_start3A_392 = arith.constant 0 : i32
    %dma_start3A_393 = arith.constant 0 : i32
    %dma_start3A_394 = tpu.memref_slice %arg6[%dma_start3A_392, %dma_start3A_393] : memref<3328x32xf32, #tpu.memory_space<vmem>> -> memref<832x32xf32, #tpu.memory_space<vmem>>
    %dma_start3A_395 = arith.constant 9984 : i32
    %dma_start3A_396 = tpu.memref_slice %arg5[%dma_start3A_395] : memref<13312xi32, #tpu.memory_space<vmem>> -> memref<832xi32, #tpu.memory_space<vmem>>
    %dma_start3A_397 = arith.constant 0 : i32
    %dma_start3A_398 = arith.constant 0 : i32
    %dma_start3A_399 = tpu.memref_slice %arg3[%dma_start3A_397, %dma_start3A_398] : memref<1003520x32xf32, #tpu.memory_space<hbm>> -> memref<1003520x32xf32, #tpu.memory_space<hbm>>
    tpu.enqueue_indirect_dma source(%dma_start3A_399 : memref<1003520x32xf32, #tpu.memory_space<hbm>>) target(%dma_start3A_394 : memref<832x32xf32, #tpu.memory_space<vmem>>) offsets(%dma_start3A_396 : memref<832xi32, #tpu.memory_space<vmem>>) semaphore(%arg7 : memref<!tpu.dma_semaphore, #tpu.memory_space<semaphore_mem>>)
    %dma_wait3A_400 = arith.constant 1664 : i32
    %dma_wait3A_401 = arith.constant 0 : i32
    %dma_wait3A_402 = tpu.memref_slice %arg6[%dma_wait3A_400, %dma_wait3A_401] : memref<3328x32xf32, #tpu.memory_space<vmem>> -> memref<832x32xf32, #tpu.memory_space<vmem>>
    %dma_wait3A_403 = arith.constant 8320 : i32
    %dma_wait3A_404 = tpu.memref_slice %arg5[%dma_wait3A_403] : memref<13312xi32, #tpu.memory_space<vmem>> -> memref<832xi32, #tpu.memory_space<vmem>>
    %dma_wait3A_405 = arith.constant 0 : i32
    %dma_wait3A_406 = arith.constant 0 : i32
    %dma_wait3A_407 = tpu.memref_slice %arg3[%dma_wait3A_405, %dma_wait3A_406] : memref<1003520x32xf32, #tpu.memory_space<hbm>> -> memref<1003520x32xf32, #tpu.memory_space<hbm>>
    tpu.wait_indirect_dma semaphore(%arg7 : memref<!tpu.dma_semaphore, #tpu.memory_space<semaphore_mem>>) src(%dma_wait3A_407 : memref<1003520x32xf32, #tpu.memory_space<hbm>>) dst(%dma_wait3A_402 : memref<832x32xf32, #tpu.memory_space<vmem>>)
    %add3A_408 = arith.constant 8320 : i32
    %add3A_409 = arith.addi %mul3A_2, %add3A_408 : i32
    %dma_start3A_410 = arith.constant 1664 : i32
    %dma_start3A_411 = arith.constant 0 : i32
    %dma_start3A_412 = tpu.memref_slice %arg6[%dma_start3A_410, %dma_start3A_411] : memref<3328x32xf32, #tpu.memory_space<vmem>> -> memref<832x32xf32, #tpu.memory_space<vmem>>
    %dma_start3A_413 = arith.constant 0 : i32
    %dma_start3A_414 = tpu.memref_slice %arg4[%add3A_409, %dma_start3A_413] : memref<425984x32xf32, #tpu.memory_space<hbm>> -> memref<832x32xf32, #tpu.memory_space<hbm>>
    %dma_start3A_415 = arith.constant 0 : i32
    %dma_start3A_416 = tpu.memref_slice %arg4[%add3A_409, %dma_start3A_415] : memref<425984x32xf32, #tpu.memory_space<hbm>> -> memref<832x32xf32, #tpu.memory_space<hbm>>
    %dma_start3A_417 = arith.constant 1664 : i32
    %dma_start3A_418 = arith.constant 0 : i32
    %dma_start3A_419 = tpu.memref_slice %arg6[%dma_start3A_417, %dma_start3A_418] : memref<3328x32xf32, #tpu.memory_space<vmem>> -> memref<832x32xf32, #tpu.memory_space<vmem>>
    tpu.enqueue_dma source(%dma_start3A_419 : memref<832x32xf32, #tpu.memory_space<vmem>>) target(%dma_start3A_416 : memref<832x32xf32, #tpu.memory_space<hbm>>) target_semaphore(%arg8 : memref<!tpu.dma_semaphore, #tpu.memory_space<semaphore_mem>>)
    %dma_wait3A_420 = arith.constant 832 : i32
    %dma_wait3A_421 = arith.constant 0 : i32
    %dma_wait3A_422 = tpu.memref_slice %arg6[%dma_wait3A_420, %dma_wait3A_421] : memref<3328x32xf32, #tpu.memory_space<vmem>> -> memref<832x32xf32, #tpu.memory_space<vmem>>
    %dma_wait3A_423 = arith.constant 0 : i32
    %dma_wait3A_424 = tpu.memref_slice %arg4[%add3A_371, %dma_wait3A_423] : memref<425984x32xf32, #tpu.memory_space<hbm>> -> memref<832x32xf32, #tpu.memory_space<hbm>>
    %dma_wait3A_425 = arith.constant 0 : i32
    %dma_wait3A_426 = tpu.memref_slice %arg4[%add3A_371, %dma_wait3A_425] : memref<425984x32xf32, #tpu.memory_space<hbm>> -> memref<832x32xf32, #tpu.memory_space<hbm>>
    %dma_wait3A_427 = arith.constant 832 : i32
    %dma_wait3A_428 = arith.constant 0 : i32
    %dma_wait3A_429 = tpu.memref_slice %arg6[%dma_wait3A_427, %dma_wait3A_428] : memref<3328x32xf32, #tpu.memory_space<vmem>> -> memref<832x32xf32, #tpu.memory_space<vmem>>
    tpu.wait_dma2 semaphore(%arg8 : memref<!tpu.dma_semaphore, #tpu.memory_space<semaphore_mem>>) src(%dma_wait3A_429 : memref<832x32xf32, #tpu.memory_space<vmem>>) dst(%dma_wait3A_426 : memref<832x32xf32, #tpu.memory_space<hbm>>)
    %dma_start3A_430 = arith.constant 832 : i32
    %dma_start3A_431 = arith.constant 0 : i32
    %dma_start3A_432 = tpu.memref_slice %arg6[%dma_start3A_430, %dma_start3A_431] : memref<3328x32xf32, #tpu.memory_space<vmem>> -> memref<832x32xf32, #tpu.memory_space<vmem>>
    %dma_start3A_433 = arith.constant 10816 : i32
    %dma_start3A_434 = tpu.memref_slice %arg5[%dma_start3A_433] : memref<13312xi32, #tpu.memory_space<vmem>> -> memref<832xi32, #tpu.memory_space<vmem>>
    %dma_start3A_435 = arith.constant 0 : i32
    %dma_start3A_436 = arith.constant 0 : i32
    %dma_start3A_437 = tpu.memref_slice %arg3[%dma_start3A_435, %dma_start3A_436] : memref<1003520x32xf32, #tpu.memory_space<hbm>> -> memref<1003520x32xf32, #tpu.memory_space<hbm>>
    tpu.enqueue_indirect_dma source(%dma_start3A_437 : memref<1003520x32xf32, #tpu.memory_space<hbm>>) target(%dma_start3A_432 : memref<832x32xf32, #tpu.memory_space<vmem>>) offsets(%dma_start3A_434 : memref<832xi32, #tpu.memory_space<vmem>>) semaphore(%arg7 : memref<!tpu.dma_semaphore, #tpu.memory_space<semaphore_mem>>)
    %dma_wait3A_438 = arith.constant 2496 : i32
    %dma_wait3A_439 = arith.constant 0 : i32
    %dma_wait3A_440 = tpu.memref_slice %arg6[%dma_wait3A_438, %dma_wait3A_439] : memref<3328x32xf32, #tpu.memory_space<vmem>> -> memref<832x32xf32, #tpu.memory_space<vmem>>
    %dma_wait3A_441 = arith.constant 9152 : i32
    %dma_wait3A_442 = tpu.memref_slice %arg5[%dma_wait3A_441] : memref<13312xi32, #tpu.memory_space<vmem>> -> memref<832xi32, #tpu.memory_space<vmem>>
    %dma_wait3A_443 = arith.constant 0 : i32
    %dma_wait3A_444 = arith.constant 0 : i32
    %dma_wait3A_445 = tpu.memref_slice %arg3[%dma_wait3A_443, %dma_wait3A_444] : memref<1003520x32xf32, #tpu.memory_space<hbm>> -> memref<1003520x32xf32, #tpu.memory_space<hbm>>
    tpu.wait_indirect_dma semaphore(%arg7 : memref<!tpu.dma_semaphore, #tpu.memory_space<semaphore_mem>>) src(%dma_wait3A_445 : memref<1003520x32xf32, #tpu.memory_space<hbm>>) dst(%dma_wait3A_440 : memref<832x32xf32, #tpu.memory_space<vmem>>)
    %add3A_446 = arith.constant 9152 : i32
    %add3A_447 = arith.addi %mul3A_2, %add3A_446 : i32
    %dma_start3A_448 = arith.constant 2496 : i32
    %dma_start3A_449 = arith.constant 0 : i32
    %dma_start3A_450 = tpu.memref_slice %arg6[%dma_start3A_448, %dma_start3A_449] : memref<3328x32xf32, #tpu.memory_space<vmem>> -> memref<832x32xf32, #tpu.memory_space<vmem>>
    %dma_start3A_451 = arith.constant 0 : i32
    %dma_start3A_452 = tpu.memref_slice %arg4[%add3A_447, %dma_start3A_451] : memref<425984x32xf32, #tpu.memory_space<hbm>> -> memref<832x32xf32, #tpu.memory_space<hbm>>
    %dma_start3A_453 = arith.constant 0 : i32
    %dma_start3A_454 = tpu.memref_slice %arg4[%add3A_447, %dma_start3A_453] : memref<425984x32xf32, #tpu.memory_space<hbm>> -> memref<832x32xf32, #tpu.memory_space<hbm>>
    %dma_start3A_455 = arith.constant 2496 : i32
    %dma_start3A_456 = arith.constant 0 : i32
    %dma_start3A_457 = tpu.memref_slice %arg6[%dma_start3A_455, %dma_start3A_456] : memref<3328x32xf32, #tpu.memory_space<vmem>> -> memref<832x32xf32, #tpu.memory_space<vmem>>
    tpu.enqueue_dma source(%dma_start3A_457 : memref<832x32xf32, #tpu.memory_space<vmem>>) target(%dma_start3A_454 : memref<832x32xf32, #tpu.memory_space<hbm>>) target_semaphore(%arg8 : memref<!tpu.dma_semaphore, #tpu.memory_space<semaphore_mem>>)
    %dma_wait3A_458 = arith.constant 1664 : i32
    %dma_wait3A_459 = arith.constant 0 : i32
    %dma_wait3A_460 = tpu.memref_slice %arg6[%dma_wait3A_458, %dma_wait3A_459] : memref<3328x32xf32, #tpu.memory_space<vmem>> -> memref<832x32xf32, #tpu.memory_space<vmem>>
    %dma_wait3A_461 = arith.constant 0 : i32
    %dma_wait3A_462 = tpu.memref_slice %arg4[%add3A_409, %dma_wait3A_461] : memref<425984x32xf32, #tpu.memory_space<hbm>> -> memref<832x32xf32, #tpu.memory_space<hbm>>
    %dma_wait3A_463 = arith.constant 0 : i32
    %dma_wait3A_464 = tpu.memref_slice %arg4[%add3A_409, %dma_wait3A_463] : memref<425984x32xf32, #tpu.memory_space<hbm>> -> memref<832x32xf32, #tpu.memory_space<hbm>>
    %dma_wait3A_465 = arith.constant 1664 : i32
    %dma_wait3A_466 = arith.constant 0 : i32
    %dma_wait3A_467 = tpu.memref_slice %arg6[%dma_wait3A_465, %dma_wait3A_466] : memref<3328x32xf32, #tpu.memory_space<vmem>> -> memref<832x32xf32, #tpu.memory_space<vmem>>
    tpu.wait_dma2 semaphore(%arg8 : memref<!tpu.dma_semaphore, #tpu.memory_space<semaphore_mem>>) src(%dma_wait3A_467 : memref<832x32xf32, #tpu.memory_space<vmem>>) dst(%dma_wait3A_464 : memref<832x32xf32, #tpu.memory_space<hbm>>)
    %dma_start3A_468 = arith.constant 1664 : i32
    %dma_start3A_469 = arith.constant 0 : i32
    %dma_start3A_470 = tpu.memref_slice %arg6[%dma_start3A_468, %dma_start3A_469] : memref<3328x32xf32, #tpu.memory_space<vmem>> -> memref<832x32xf32, #tpu.memory_space<vmem>>
    %dma_start3A_471 = arith.constant 11648 : i32
    %dma_start3A_472 = tpu.memref_slice %arg5[%dma_start3A_471] : memref<13312xi32, #tpu.memory_space<vmem>> -> memref<832xi32, #tpu.memory_space<vmem>>
    %dma_start3A_473 = arith.constant 0 : i32
    %dma_start3A_474 = arith.constant 0 : i32
    %dma_start3A_475 = tpu.memref_slice %arg3[%dma_start3A_473, %dma_start3A_474] : memref<1003520x32xf32, #tpu.memory_space<hbm>> -> memref<1003520x32xf32, #tpu.memory_space<hbm>>
    tpu.enqueue_indirect_dma source(%dma_start3A_475 : memref<1003520x32xf32, #tpu.memory_space<hbm>>) target(%dma_start3A_470 : memref<832x32xf32, #tpu.memory_space<vmem>>) offsets(%dma_start3A_472 : memref<832xi32, #tpu.memory_space<vmem>>) semaphore(%arg7 : memref<!tpu.dma_semaphore, #tpu.memory_space<semaphore_mem>>)
    %dma_wait3A_476 = arith.constant 0 : i32
    %dma_wait3A_477 = arith.constant 0 : i32
    %dma_wait3A_478 = tpu.memref_slice %arg6[%dma_wait3A_476, %dma_wait3A_477] : memref<3328x32xf32, #tpu.memory_space<vmem>> -> memref<832x32xf32, #tpu.memory_space<vmem>>
    %dma_wait3A_479 = arith.constant 9984 : i32
    %dma_wait3A_480 = tpu.memref_slice %arg5[%dma_wait3A_479] : memref<13312xi32, #tpu.memory_space<vmem>> -> memref<832xi32, #tpu.memory_space<vmem>>
    %dma_wait3A_481 = arith.constant 0 : i32
    %dma_wait3A_482 = arith.constant 0 : i32
    %dma_wait3A_483 = tpu.memref_slice %arg3[%dma_wait3A_481, %dma_wait3A_482] : memref<1003520x32xf32, #tpu.memory_space<hbm>> -> memref<1003520x32xf32, #tpu.memory_space<hbm>>
    tpu.wait_indirect_dma semaphore(%arg7 : memref<!tpu.dma_semaphore, #tpu.memory_space<semaphore_mem>>) src(%dma_wait3A_483 : memref<1003520x32xf32, #tpu.memory_space<hbm>>) dst(%dma_wait3A_478 : memref<832x32xf32, #tpu.memory_space<vmem>>)
    %add3A_484 = arith.constant 9984 : i32
    %add3A_485 = arith.addi %mul3A_2, %add3A_484 : i32
    %dma_start3A_486 = arith.constant 0 : i32
    %dma_start3A_487 = arith.constant 0 : i32
    %dma_start3A_488 = tpu.memref_slice %arg6[%dma_start3A_486, %dma_start3A_487] : memref<3328x32xf32, #tpu.memory_space<vmem>> -> memref<832x32xf32, #tpu.memory_space<vmem>>
    %dma_start3A_489 = arith.constant 0 : i32
    %dma_start3A_490 = tpu.memref_slice %arg4[%add3A_485, %dma_start3A_489] : memref<425984x32xf32, #tpu.memory_space<hbm>> -> memref<832x32xf32, #tpu.memory_space<hbm>>
    %dma_start3A_491 = arith.constant 0 : i32
    %dma_start3A_492 = tpu.memref_slice %arg4[%add3A_485, %dma_start3A_491] : memref<425984x32xf32, #tpu.memory_space<hbm>> -> memref<832x32xf32, #tpu.memory_space<hbm>>
    %dma_start3A_493 = arith.constant 0 : i32
    %dma_start3A_494 = arith.constant 0 : i32
    %dma_start3A_495 = tpu.memref_slice %arg6[%dma_start3A_493, %dma_start3A_494] : memref<3328x32xf32, #tpu.memory_space<vmem>> -> memref<832x32xf32, #tpu.memory_space<vmem>>
    tpu.enqueue_dma source(%dma_start3A_495 : memref<832x32xf32, #tpu.memory_space<vmem>>) target(%dma_start3A_492 : memref<832x32xf32, #tpu.memory_space<hbm>>) target_semaphore(%arg8 : memref<!tpu.dma_semaphore, #tpu.memory_space<semaphore_mem>>)
    %dma_wait3A_496 = arith.constant 2496 : i32
    %dma_wait3A_497 = arith.constant 0 : i32
    %dma_wait3A_498 = tpu.memref_slice %arg6[%dma_wait3A_496, %dma_wait3A_497] : memref<3328x32xf32, #tpu.memory_space<vmem>> -> memref<832x32xf32, #tpu.memory_space<vmem>>
    %dma_wait3A_499 = arith.constant 0 : i32
    %dma_wait3A_500 = tpu.memref_slice %arg4[%add3A_447, %dma_wait3A_499] : memref<425984x32xf32, #tpu.memory_space<hbm>> -> memref<832x32xf32, #tpu.memory_space<hbm>>
    %dma_wait3A_501 = arith.constant 0 : i32
    %dma_wait3A_502 = tpu.memref_slice %arg4[%add3A_447, %dma_wait3A_501] : memref<425984x32xf32, #tpu.memory_space<hbm>> -> memref<832x32xf32, #tpu.memory_space<hbm>>
    %dma_wait3A_503 = arith.constant 2496 : i32
    %dma_wait3A_504 = arith.constant 0 : i32
    %dma_wait3A_505 = tpu.memref_slice %arg6[%dma_wait3A_503, %dma_wait3A_504] : memref<3328x32xf32, #tpu.memory_space<vmem>> -> memref<832x32xf32, #tpu.memory_space<vmem>>
    tpu.wait_dma2 semaphore(%arg8 : memref<!tpu.dma_semaphore, #tpu.memory_space<semaphore_mem>>) src(%dma_wait3A_505 : memref<832x32xf32, #tpu.memory_space<vmem>>) dst(%dma_wait3A_502 : memref<832x32xf32, #tpu.memory_space<hbm>>)
    %dma_start3A_506 = arith.constant 2496 : i32
    %dma_start3A_507 = arith.constant 0 : i32
    %dma_start3A_508 = tpu.memref_slice %arg6[%dma_start3A_506, %dma_start3A_507] : memref<3328x32xf32, #tpu.memory_space<vmem>> -> memref<832x32xf32, #tpu.memory_space<vmem>>
    %dma_start3A_509 = arith.constant 12480 : i32
    %dma_start3A_510 = tpu.memref_slice %arg5[%dma_start3A_509] : memref<13312xi32, #tpu.memory_space<vmem>> -> memref<832xi32, #tpu.memory_space<vmem>>
    %dma_start3A_511 = arith.constant 0 : i32
    %dma_start3A_512 = arith.constant 0 : i32
    %dma_start3A_513 = tpu.memref_slice %arg3[%dma_start3A_511, %dma_start3A_512] : memref<1003520x32xf32, #tpu.memory_space<hbm>> -> memref<1003520x32xf32, #tpu.memory_space<hbm>>
    tpu.enqueue_indirect_dma source(%dma_start3A_513 : memref<1003520x32xf32, #tpu.memory_space<hbm>>) target(%dma_start3A_508 : memref<832x32xf32, #tpu.memory_space<vmem>>) offsets(%dma_start3A_510 : memref<832xi32, #tpu.memory_space<vmem>>) semaphore(%arg7 : memref<!tpu.dma_semaphore, #tpu.memory_space<semaphore_mem>>)
    %dma_wait3A_514 = arith.constant 832 : i32
    %dma_wait3A_515 = arith.constant 0 : i32
    %dma_wait3A_516 = tpu.memref_slice %arg6[%dma_wait3A_514, %dma_wait3A_515] : memref<3328x32xf32, #tpu.memory_space<vmem>> -> memref<832x32xf32, #tpu.memory_space<vmem>>
    %dma_wait3A_517 = arith.constant 10816 : i32
    %dma_wait3A_518 = tpu.memref_slice %arg5[%dma_wait3A_517] : memref<13312xi32, #tpu.memory_space<vmem>> -> memref<832xi32, #tpu.memory_space<vmem>>
    %dma_wait3A_519 = arith.constant 0 : i32
    %dma_wait3A_520 = arith.constant 0 : i32
    %dma_wait3A_521 = tpu.memref_slice %arg3[%dma_wait3A_519, %dma_wait3A_520] : memref<1003520x32xf32, #tpu.memory_space<hbm>> -> memref<1003520x32xf32, #tpu.memory_space<hbm>>
    tpu.wait_indirect_dma semaphore(%arg7 : memref<!tpu.dma_semaphore, #tpu.memory_space<semaphore_mem>>) src(%dma_wait3A_521 : memref<1003520x32xf32, #tpu.memory_space<hbm>>) dst(%dma_wait3A_516 : memref<832x32xf32, #tpu.memory_space<vmem>>)
    %add3A_522 = arith.constant 10816 : i32
    %add3A_523 = arith.addi %mul3A_2, %add3A_522 : i32
    %dma_start3A_524 = arith.constant 832 : i32
    %dma_start3A_525 = arith.constant 0 : i32
    %dma_start3A_526 = tpu.memref_slice %arg6[%dma_start3A_524, %dma_start3A_525] : memref<3328x32xf32, #tpu.memory_space<vmem>> -> memref<832x32xf32, #tpu.memory_space<vmem>>
    %dma_start3A_527 = arith.constant 0 : i32
    %dma_start3A_528 = tpu.memref_slice %arg4[%add3A_523, %dma_start3A_527] : memref<425984x32xf32, #tpu.memory_space<hbm>> -> memref<832x32xf32, #tpu.memory_space<hbm>>
    %dma_start3A_529 = arith.constant 0 : i32
    %dma_start3A_530 = tpu.memref_slice %arg4[%add3A_523, %dma_start3A_529] : memref<425984x32xf32, #tpu.memory_space<hbm>> -> memref<832x32xf32, #tpu.memory_space<hbm>>
    %dma_start3A_531 = arith.constant 832 : i32
    %dma_start3A_532 = arith.constant 0 : i32
    %dma_start3A_533 = tpu.memref_slice %arg6[%dma_start3A_531, %dma_start3A_532] : memref<3328x32xf32, #tpu.memory_space<vmem>> -> memref<832x32xf32, #tpu.memory_space<vmem>>
    tpu.enqueue_dma source(%dma_start3A_533 : memref<832x32xf32, #tpu.memory_space<vmem>>) target(%dma_start3A_530 : memref<832x32xf32, #tpu.memory_space<hbm>>) target_semaphore(%arg8 : memref<!tpu.dma_semaphore, #tpu.memory_space<semaphore_mem>>)
    %dma_wait3A_534 = arith.constant 1664 : i32
    %dma_wait3A_535 = arith.constant 0 : i32
    %dma_wait3A_536 = tpu.memref_slice %arg6[%dma_wait3A_534, %dma_wait3A_535] : memref<3328x32xf32, #tpu.memory_space<vmem>> -> memref<832x32xf32, #tpu.memory_space<vmem>>
    %dma_wait3A_537 = arith.constant 11648 : i32
    %dma_wait3A_538 = tpu.memref_slice %arg5[%dma_wait3A_537] : memref<13312xi32, #tpu.memory_space<vmem>> -> memref<832xi32, #tpu.memory_space<vmem>>
    %dma_wait3A_539 = arith.constant 0 : i32
    %dma_wait3A_540 = arith.constant 0 : i32
    %dma_wait3A_541 = tpu.memref_slice %arg3[%dma_wait3A_539, %dma_wait3A_540] : memref<1003520x32xf32, #tpu.memory_space<hbm>> -> memref<1003520x32xf32, #tpu.memory_space<hbm>>
    tpu.wait_indirect_dma semaphore(%arg7 : memref<!tpu.dma_semaphore, #tpu.memory_space<semaphore_mem>>) src(%dma_wait3A_541 : memref<1003520x32xf32, #tpu.memory_space<hbm>>) dst(%dma_wait3A_536 : memref<832x32xf32, #tpu.memory_space<vmem>>)
    %add3A_542 = arith.constant 11648 : i32
    %add3A_543 = arith.addi %mul3A_2, %add3A_542 : i32
    %dma_start3A_544 = arith.constant 1664 : i32
    %dma_start3A_545 = arith.constant 0 : i32
    %dma_start3A_546 = tpu.memref_slice %arg6[%dma_start3A_544, %dma_start3A_545] : memref<3328x32xf32, #tpu.memory_space<vmem>> -> memref<832x32xf32, #tpu.memory_space<vmem>>
    %dma_start3A_547 = arith.constant 0 : i32
    %dma_start3A_548 = tpu.memref_slice %arg4[%add3A_543, %dma_start3A_547] : memref<425984x32xf32, #tpu.memory_space<hbm>> -> memref<832x32xf32, #tpu.memory_space<hbm>>
    %dma_start3A_549 = arith.constant 0 : i32
    %dma_start3A_550 = tpu.memref_slice %arg4[%add3A_543, %dma_start3A_549] : memref<425984x32xf32, #tpu.memory_space<hbm>> -> memref<832x32xf32, #tpu.memory_space<hbm>>
    %dma_start3A_551 = arith.constant 1664 : i32
    %dma_start3A_552 = arith.constant 0 : i32
    %dma_start3A_553 = tpu.memref_slice %arg6[%dma_start3A_551, %dma_start3A_552] : memref<3328x32xf32, #tpu.memory_space<vmem>> -> memref<832x32xf32, #tpu.memory_space<vmem>>
    tpu.enqueue_dma source(%dma_start3A_553 : memref<832x32xf32, #tpu.memory_space<vmem>>) target(%dma_start3A_550 : memref<832x32xf32, #tpu.memory_space<hbm>>) target_semaphore(%arg8 : memref<!tpu.dma_semaphore, #tpu.memory_space<semaphore_mem>>)
    %dma_wait3A_554 = arith.constant 2496 : i32
    %dma_wait3A_555 = arith.constant 0 : i32
    %dma_wait3A_556 = tpu.memref_slice %arg6[%dma_wait3A_554, %dma_wait3A_555] : memref<3328x32xf32, #tpu.memory_space<vmem>> -> memref<832x32xf32, #tpu.memory_space<vmem>>
    %dma_wait3A_557 = arith.constant 12480 : i32
    %dma_wait3A_558 = tpu.memref_slice %arg5[%dma_wait3A_557] : memref<13312xi32, #tpu.memory_space<vmem>> -> memref<832xi32, #tpu.memory_space<vmem>>
    %dma_wait3A_559 = arith.constant 0 : i32
    %dma_wait3A_560 = arith.constant 0 : i32
    %dma_wait3A_561 = tpu.memref_slice %arg3[%dma_wait3A_559, %dma_wait3A_560] : memref<1003520x32xf32, #tpu.memory_space<hbm>> -> memref<1003520x32xf32, #tpu.memory_space<hbm>>
    tpu.wait_indirect_dma semaphore(%arg7 : memref<!tpu.dma_semaphore, #tpu.memory_space<semaphore_mem>>) src(%dma_wait3A_561 : memref<1003520x32xf32, #tpu.memory_space<hbm>>) dst(%dma_wait3A_556 : memref<832x32xf32, #tpu.memory_space<vmem>>)
    %add3A_562 = arith.constant 12480 : i32
    %add3A_563 = arith.addi %mul3A_2, %add3A_562 : i32
    %dma_start3A_564 = arith.constant 2496 : i32
    %dma_start3A_565 = arith.constant 0 : i32
    %dma_start3A_566 = tpu.memref_slice %arg6[%dma_start3A_564, %dma_start3A_565] : memref<3328x32xf32, #tpu.memory_space<vmem>> -> memref<832x32xf32, #tpu.memory_space<vmem>>
    %dma_start3A_567 = arith.constant 0 : i32
    %dma_start3A_568 = tpu.memref_slice %arg4[%add3A_563, %dma_start3A_567] : memref<425984x32xf32, #tpu.memory_space<hbm>> -> memref<832x32xf32, #tpu.memory_space<hbm>>
    %dma_start3A_569 = arith.constant 0 : i32
    %dma_start3A_570 = tpu.memref_slice %arg4[%add3A_563, %dma_start3A_569] : memref<425984x32xf32, #tpu.memory_space<hbm>> -> memref<832x32xf32, #tpu.memory_space<hbm>>
    %dma_start3A_571 = arith.constant 2496 : i32
    %dma_start3A_572 = arith.constant 0 : i32
    %dma_start3A_573 = tpu.memref_slice %arg6[%dma_start3A_571, %dma_start3A_572] : memref<3328x32xf32, #tpu.memory_space<vmem>> -> memref<832x32xf32, #tpu.memory_space<vmem>>
    tpu.enqueue_dma source(%dma_start3A_573 : memref<832x32xf32, #tpu.memory_space<vmem>>) target(%dma_start3A_570 : memref<832x32xf32, #tpu.memory_space<hbm>>) target_semaphore(%arg8 : memref<!tpu.dma_semaphore, #tpu.memory_space<semaphore_mem>>)
    %dma_wait3A_574 = arith.constant 0 : i32
    %dma_wait3A_575 = arith.constant 0 : i32
    %dma_wait3A_576 = tpu.memref_slice %arg6[%dma_wait3A_574, %dma_wait3A_575] : memref<3328x32xf32, #tpu.memory_space<vmem>> -> memref<832x32xf32, #tpu.memory_space<vmem>>
    %dma_wait3A_577 = arith.constant 0 : i32
    %dma_wait3A_578 = tpu.memref_slice %arg4[%add3A_485, %dma_wait3A_577] : memref<425984x32xf32, #tpu.memory_space<hbm>> -> memref<832x32xf32, #tpu.memory_space<hbm>>
    %dma_wait3A_579 = arith.constant 0 : i32
    %dma_wait3A_580 = tpu.memref_slice %arg4[%add3A_485, %dma_wait3A_579] : memref<425984x32xf32, #tpu.memory_space<hbm>> -> memref<832x32xf32, #tpu.memory_space<hbm>>
    %dma_wait3A_581 = arith.constant 0 : i32
    %dma_wait3A_582 = arith.constant 0 : i32
    %dma_wait3A_583 = tpu.memref_slice %arg6[%dma_wait3A_581, %dma_wait3A_582] : memref<3328x32xf32, #tpu.memory_space<vmem>> -> memref<832x32xf32, #tpu.memory_space<vmem>>
    tpu.wait_dma2 semaphore(%arg8 : memref<!tpu.dma_semaphore, #tpu.memory_space<semaphore_mem>>) src(%dma_wait3A_583 : memref<832x32xf32, #tpu.memory_space<vmem>>) dst(%dma_wait3A_580 : memref<832x32xf32, #tpu.memory_space<hbm>>)
    %dma_wait3A_584 = arith.constant 832 : i32
    %dma_wait3A_585 = arith.constant 0 : i32
    %dma_wait3A_586 = tpu.memref_slice %arg6[%dma_wait3A_584, %dma_wait3A_585] : memref<3328x32xf32, #tpu.memory_space<vmem>> -> memref<832x32xf32, #tpu.memory_space<vmem>>
    %dma_wait3A_587 = arith.constant 0 : i32
    %dma_wait3A_588 = tpu.memref_slice %arg4[%add3A_523, %dma_wait3A_587] : memref<425984x32xf32, #tpu.memory_space<hbm>> -> memref<832x32xf32, #tpu.memory_space<hbm>>
    %dma_wait3A_589 = arith.constant 0 : i32
    %dma_wait3A_590 = tpu.memref_slice %arg4[%add3A_523, %dma_wait3A_589] : memref<425984x32xf32, #tpu.memory_space<hbm>> -> memref<832x32xf32, #tpu.memory_space<hbm>>
    %dma_wait3A_591 = arith.constant 832 : i32
    %dma_wait3A_592 = arith.constant 0 : i32
    %dma_wait3A_593 = tpu.memref_slice %arg6[%dma_wait3A_591, %dma_wait3A_592] : memref<3328x32xf32, #tpu.memory_space<vmem>> -> memref<832x32xf32, #tpu.memory_space<vmem>>
    tpu.wait_dma2 semaphore(%arg8 : memref<!tpu.dma_semaphore, #tpu.memory_space<semaphore_mem>>) src(%dma_wait3A_593 : memref<832x32xf32, #tpu.memory_space<vmem>>) dst(%dma_wait3A_590 : memref<832x32xf32, #tpu.memory_space<hbm>>)
    %dma_wait3A_594 = arith.constant 1664 : i32
    %dma_wait3A_595 = arith.constant 0 : i32
    %dma_wait3A_596 = tpu.memref_slice %arg6[%dma_wait3A_594, %dma_wait3A_595] : memref<3328x32xf32, #tpu.memory_space<vmem>> -> memref<832x32xf32, #tpu.memory_space<vmem>>
    %dma_wait3A_597 = arith.constant 0 : i32
    %dma_wait3A_598 = tpu.memref_slice %arg4[%add3A_543, %dma_wait3A_597] : memref<425984x32xf32, #tpu.memory_space<hbm>> -> memref<832x32xf32, #tpu.memory_space<hbm>>
    %dma_wait3A_599 = arith.constant 0 : i32
    %dma_wait3A_600 = tpu.memref_slice %arg4[%add3A_543, %dma_wait3A_599] : memref<425984x32xf32, #tpu.memory_space<hbm>> -> memref<832x32xf32, #tpu.memory_space<hbm>>
    %dma_wait3A_601 = arith.constant 1664 : i32
    %dma_wait3A_602 = arith.constant 0 : i32
    %dma_wait3A_603 = tpu.memref_slice %arg6[%dma_wait3A_601, %dma_wait3A_602] : memref<3328x32xf32, #tpu.memory_space<vmem>> -> memref<832x32xf32, #tpu.memory_space<vmem>>
    tpu.wait_dma2 semaphore(%arg8 : memref<!tpu.dma_semaphore, #tpu.memory_space<semaphore_mem>>) src(%dma_wait3A_603 : memref<832x32xf32, #tpu.memory_space<vmem>>) dst(%dma_wait3A_600 : memref<832x32xf32, #tpu.memory_space<hbm>>)
    %dma_wait3A_604 = arith.constant 2496 : i32
    %dma_wait3A_605 = arith.constant 0 : i32
    %dma_wait3A_606 = tpu.memref_slice %arg6[%dma_wait3A_604, %dma_wait3A_605] : memref<3328x32xf32, #tpu.memory_space<vmem>> -> memref<832x32xf32, #tpu.memory_space<vmem>>
    %dma_wait3A_607 = arith.constant 0 : i32
    %dma_wait3A_608 = tpu.memref_slice %arg4[%add3A_563, %dma_wait3A_607] : memref<425984x32xf32, #tpu.memory_space<hbm>> -> memref<832x32xf32, #tpu.memory_space<hbm>>
    %dma_wait3A_609 = arith.constant 0 : i32
    %dma_wait3A_610 = tpu.memref_slice %arg4[%add3A_563, %dma_wait3A_609] : memref<425984x32xf32, #tpu.memory_space<hbm>> -> memref<832x32xf32, #tpu.memory_space<hbm>>
    %dma_wait3A_611 = arith.constant 2496 : i32
    %dma_wait3A_612 = arith.constant 0 : i32
    %dma_wait3A_613 = tpu.memref_slice %arg6[%dma_wait3A_611, %dma_wait3A_612] : memref<3328x32xf32, #tpu.memory_space<vmem>> -> memref<832x32xf32, #tpu.memory_space<vmem>>
    tpu.wait_dma2 semaphore(%arg8 : memref<!tpu.dma_semaphore, #tpu.memory_space<semaphore_mem>>) src(%dma_wait3A_613 : memref<832x32xf32, #tpu.memory_space<vmem>>) dst(%dma_wait3A_610 : memref<832x32xf32, #tpu.memory_space<hbm>>)
    return
  }
}

module attributes {stable_mosaic.version = 14 : i64} {
  func.func @_prep_body(%arg0: i32, %arg1: memref<32x4096xf32, #tpu.memory_space<vmem>>, %arg2: memref<1024x128xf32, #tpu.memory_space<vmem>>) attributes {dimension_semantics = [#tpu.dimension_semantics<arbitrary>], iteration_bounds = array<i64: 245>, scalar_prefetch = 0 : i64, scratch_operands = 0 : i64, tpu.core_type = #tpu.core_type<tc>, window_params = [{transform_indices = @transform_0, window_bounds = array<i64: 32, 4096>}, {transform_indices = @transform_1, window_bounds = array<i64: 1024, 128>}]} {
    %get3A = arith.constant 0 : index
    %get3A_0 = arith.constant 0 : index
    %get3A_1 = vector.load %arg1[%get3A, %get3A_0] : memref<32x4096xf32, #tpu.memory_space<vmem>>, vector<32x4096xf32>
    %slice3A = vector.extract_strided_slice %get3A_1 {offsets = [0, 0], sizes = [32, 1024], strides = [1, 1]} : vector<32x4096xf32> to vector<32x1024xf32>
    %transpose3A = tpu.transpose %slice3A, [1, 0] : vector<32x1024xf32> -> vector<1024x32xf32>
    %slice3A_2 = vector.extract_strided_slice %get3A_1 {offsets = [0, 1024], sizes = [32, 1024], strides = [1, 1]} : vector<32x4096xf32> to vector<32x1024xf32>
    %transpose3A_3 = tpu.transpose %slice3A_2, [1, 0] : vector<32x1024xf32> -> vector<1024x32xf32>
    %slice3A_4 = vector.extract_strided_slice %get3A_1 {offsets = [0, 2048], sizes = [32, 1024], strides = [1, 1]} : vector<32x4096xf32> to vector<32x1024xf32>
    %transpose3A_5 = tpu.transpose %slice3A_4, [1, 0] : vector<32x1024xf32> -> vector<1024x32xf32>
    %slice3A_6 = vector.extract_strided_slice %get3A_1 {offsets = [0, 3072], sizes = [32, 1024], strides = [1, 1]} : vector<32x4096xf32> to vector<32x1024xf32>
    %transpose3A_7 = tpu.transpose %slice3A_6, [1, 0] : vector<32x1024xf32> -> vector<1024x32xf32>
    %concatenate3A = tpu.concatenate %transpose3A, %transpose3A_3, %transpose3A_5, %transpose3A_7 in 1 : vector<1024x32xf32>, vector<1024x32xf32>, vector<1024x32xf32>, vector<1024x32xf32> -> vector<1024x128xf32>
    %swap3A = arith.constant 0 : index
    %swap3A_8 = arith.constant 0 : index
    %swap3A_9 = vector.load %arg2[%swap3A, %swap3A_8] : memref<1024x128xf32, #tpu.memory_space<vmem>>, vector<1024x128xf32>
    tpu.vector_store %arg2[%swap3A, %swap3A_8], %concatenate3A {strides = array<i32>} : memref<1024x128xf32, #tpu.memory_space<vmem>>, vector<1024x128xf32>,
    return
  }
  func.func @transform_0(%arg0: i32) -> (i32, i32) {
    %c0_i32 = arith.constant 0 : i32
    %c0_i32_0 = arith.constant 0 : i32
    return %c0_i32, %arg0 : i32, i32
  }
  func.func @transform_1(%arg0: i32) -> (i32, i32) {
    %c0_i32 = arith.constant 0 : i32
    %c0_i32_0 = arith.constant 0 : i32
    return %arg0, %c0_i32 : i32, i32
  }
}

</mosaic_0001>

<sc_bundles>
// kernel: kernel.4.cloned.1.call-start
scs
__scs_entry_jumppad:
0x0: {  	(pc) =	sbr.rel $0x88, $3  }
0x1: {  	(tag) =	ssettag $0x0;
	lr =	simm.s32 $0x1  }
0x2: {  	[smem:$0x3F9F] =	sst lr;
	_ =	strace $0xD0000000  }
0x3: {  	_ = 	snop  }
0x4: {  	_ = 	snop  }
0x5: {  	_ = 	snop  }
0x6: {  	_ = 	snop  }
0x7: {  	_ = 	snop  }
__scs_overlays_trampoline_lowered:
0x8: {  	[smem:$0x3FAE] =	sst s0  }
0x9: {  	[smem:$0x3FAF] =	sst s1  }
0xa: {  	[smem:$0x3FB0] =	sst s2  }
0xb: {  	[smem:$0x3FB1] =	sst s3  }
0xc: {  	[smem:$0x3FB2] =	sst s4  }
0xd: {  	[smem:$0x3FB3] =	sst s5  }
0xe: {  	[smem:$0x3FB4] =	sst s6  }
0xf: {  	[smem:$0x3FB5] =	sst s7  }
0x10: {  	[smem:$0x3FB6] =	sst s8  }
0x11: {  	[smem:$0x3FB7] =	sst s9;
	s0 =	simm.s32 @!p0 $0x0  }
0x12: {  	s1 =	sld [smem:$0x3F9D];
	s0 =	simm.s32 @p0 $0x1  }
0x13: {  	[smem:$0x3FB8] =	sst s0;
	s0 =	simm.s32 @!p1 $0x0  }
0x14: {  	s2 =	sld [smem:$0x3F9C];
	s0 =	simm.s32 @p1 $0x1  }
0x15: {  	[smem:$0x3FB9] =	sst s0;
	s0 =	simm.s32 @!p2 $0x0  }
0x16: {  	s3 =	sld [smem:$0x3FDB];
	s0 =	simm.s32 @p2 $0x1  }
0x17: {  	s4 =	simm.s32 $0x1BF5;
	[smem:$0x3FBB] =	sst s0  }
0x18: {  	s0 =	sld [smem:$0x3F9E];
	_ =	swait.ge [sflag:s4], $0x0  }
0x19: {  	s7 =	sld [smem:$0x3F9F]  }
0x1a: {  	s8 =	sadd.s32 $0xFFFFE003, lr  }
0x1b: {  	s9 =	sadd.s32 $0xFFFFFEF7, lr;
	s5 =	simm.s32 $0xFFFFFFFF;
	p2 =	slt.u32 s8, $0xFFFFF086  }
0x1c: {  	p1 =	slt.u32 s9, $0xF7A;
	s5 =	simm.s32 @!p2 $0x0  }
0x1d: {  	s5 =	simm.s32 @p1 $0x1;
	p0 =	seq.s32 s7, s2  }
0x1e: {  	s7 =	smul.u32 @!p0 $0xF7A, s2;
	p2 =	seq.s32 @!p0 s5, $0x0  }
0x1f: {  	s9 =	smul.u32 $0xF7A, s1;
	s8 =	simm.s32 @!p0 $0x1BF5;
	p2 =	por !p2, p0  }
0x20: {  	[sflag:s8] =	ssyncset.s32 @!p0 $0xFFFFF086;
	s6 =	sadd.s32 @!p0 s3, s7;
	s7 =	simm.s32 @!p0 $0x108  }
0x21: {  	s3 =	sadd.s32 s3, s9;
	s6 =	sadd.s32 @!p0 $0x88, s6;
	s7 =	simm.s32 @p2 $0x1082  }
0x22: {  	[simem:s7], [sflag:s8] =	dma.local @!p0 [hbm:s6], $0xF7A  }
0x23: {  	s9 =	sor.u32 $0xD0000000, s2;
	s6 =	simm.s32 $0x108;
	_ =	swait.ge @!p0 [sflag:s8], $0x0  }
0x24: {  	s3 =	sadd.s32 $0x88, s3;
	s6 =	simm.s32 @!p1 $0x1082;
	[sflag:s4] =	ssyncset.s32 $0xFFFFF086  }
0x25: {  	[simem:s6], [sflag:s4] =	dma.local [hbm:s3], $0xF7A  }
0x26: {  	[smem:$0x3F9F] =	sst s1;
	(tag) =	ssettag s2;
	_ =	strace s9  }
0x27: {  	s1 =	sld [smem:$0x3FAF]  }
0x28: {  	s2 =	sld [smem:$0x3FB0]  }
0x29: {  	s4 =	sld [smem:$0x3FB2]  }
0x2a: {  	p0 =	seq.s32 s5, $0x0;
	s5 =	sld [smem:$0x3FB3]  }
0x2b: {  	s6 =	sld [smem:$0x3FB4]  }
0x2c: {  	s7 =	sld [smem:$0x3FB5]  }
0x2d: {  	s3 =	simm.s32 $0x108;
	s8 =	sld [smem:$0x3FB6]  }
0x2e: {  	s3 =	simm.s32 @!p0 $0x1082;
	s9 =	sld [smem:$0x3FB7]  }
0x2f: {  	lr =	sadd.s32 s0, s3;
	s0 =	sld [smem:$0x3FAE]  }
0x30: {  	s3 =	sld [smem:$0x3FB1]  }
0x31: {  	[smem:$0x3FBA] =	sst s10  }
0x32: {  	s10 =	sld [smem:$0x3FB8];
	_ =	sdelay $0x3  }
0x33: {  	p0 =	seq.s32 s10, $0x1;
	s10 =	sld [smem:$0x3FBA];
	_ =	sdelay $0x3  }
0x34: {  	[smem:$0x3FBA] =	sst s10  }
0x35: {  	s10 =	sld [smem:$0x3FB9];
	_ =	sdelay $0x3  }
0x36: {  	p1 =	seq.s32 s10, $0x1;
	s10 =	sld [smem:$0x3FBA];
	_ =	sdelay $0x3  }
0x37: {  	[smem:$0x3FBA] =	sst s10  }
0x38: {  	s10 =	sld [smem:$0x3FBB]  }
0x39: {  	_ = 	snop;
	(pc) =	sbr.ind lr, $3  }
0x3a: {  	_ = 	snop  }
0x3b: {  	_ = 	snop  }
0x3c: {  	p2 =	seq.s32 s10, $0x1;
	s10 =	sld [smem:$0x3FBA]  }
0x3d: {  	_ =	shalt  }
0x3e: {  	_ =	shalt  }
0x3f: {  	_ =	shalt  }
0x40: {  	_ =	shalt  }
0x41: {  	_ =	shalt  }
0x42: {  	_ =	shalt  }
0x43: {  	_ =	shalt  }
0x44: {  	_ =	shalt  }
0x45: {  	_ =	shalt  }
0x46: {  	_ =	shalt  }
0x47: {  	_ =	shalt  }
0x48: {  	_ =	shalt  }
0x49: {  	_ =	shalt  }
0x4a: {  	_ =	shalt  }
0x4b: {  	_ =	shalt  }
0x4c: {  	_ =	shalt  }
0x4d: {  	_ =	shalt  }
0x4e: {  	_ =	shalt  }
0x4f: {  	_ =	shalt  }
0x50: {  	_ =	shalt  }
0x51: {  	_ =	shalt  }
0x52: {  	_ =	shalt  }
0x53: {  	_ =	shalt  }
0x54: {  	_ =	shalt  }
0x55: {  	_ =	shalt  }
0x56: {  	_ =	shalt  }
0x57: {  	_ =	shalt  }
0x58: {  	_ =	shalt  }
0x59: {  	_ =	shalt  }
0x5a: {  	_ =	shalt  }
0x5b: {  	_ =	shalt  }
0x5c: {  	_ =	shalt  }
0x5d: {  	_ =	shalt  }
0x5e: {  	_ =	shalt  }
0x5f: {  	_ =	shalt  }
0x60: {  	_ =	shalt  }
0x61: {  	_ =	shalt  }
0x62: {  	_ =	shalt  }
0x63: {  	_ =	shalt  }
0x64: {  	_ =	shalt  }
0x65: {  	_ =	shalt  }
0x66: {  	_ =	shalt  }
0x67: {  	_ =	shalt  }
0x68: {  	_ =	shalt  }
0x69: {  	_ =	shalt  }
0x6a: {  	_ =	shalt  }
0x6b: {  	_ =	shalt  }
0x6c: {  	_ =	shalt  }
0x6d: {  	_ =	shalt  }
0x6e: {  	_ =	shalt  }
0x6f: {  	_ =	shalt  }
0x70: {  	_ =	shalt  }
0x71: {  	_ =	shalt  }
0x72: {  	_ =	shalt  }
0x73: {  	_ =	shalt  }
0x74: {  	_ =	shalt  }
0x75: {  	_ =	shalt  }
0x76: {  	_ =	shalt  }
0x77: {  	_ =	shalt  }
0x78: {  	_ =	shalt  }
0x79: {  	_ =	shalt  }
0x7a: {  	_ =	shalt  }
0x7b: {  	_ =	shalt  }
0x7c: {  	_ =	shalt  }
0x7d: {  	_ =	shalt  }
0x7e: {  	_ =	shalt  }
0x7f: {  	_ =	shalt  }
0x80: {  	_ =	shalt  }
0x81: {  	_ =	shalt  }
0x82: {  	_ =	shalt  }
0x83: {  	_ =	shalt  }
0x84: {  	_ =	shalt  }
0x85: {  	_ =	shalt  }
0x86: {  	_ =	shalt  }
0x87: {  	_ =	shalt  }
.Lfunc_end0:
.L_simem_size_0:
called_computation.1_lowered:
.L_overlay_start_0:
0x88: {  	s2 =	sld [smem:$0x3FD9]  }
0x89: {  	s3 =	sld [smem:$0x3FFE];
	_ =	sdelay $0x1  }
0x8a: {  	s1 =	srdreg.scid  }
0x8b: {  	s0 =	sand.u32 $0x1, s1  }
0x8c: {  	s17 =	sshll.u32 s0, $0xA;
	s2 =	sadd.s32 s3, s2  }
0x8d: {  	s2 =	sadd.s32 s2, s17  }
0x8e: {  	[smem:$0x3FC6] =	sst s2  }
0x8f: {  	_ = 	snop  }
0x90: {  	s2 =	sld [smem:$0x3FD0];
	(tm) =	ssettm $0x1  }
0x91: {  	s18 =	sld [smem:$0x3FFB];
	_ =	sdelay $0x3  }
0x92: {  	_ =	strace s18  }
0x93: {  	s3 =	sld [smem:$0x3FFC];
	_ =	sdelay $0x3  }
0x94: {  	_ =	strace s3  }
0x95: {  	s3 =	sld [smem:$0x3FFD];
	_ =	sdelay $0x3  }
0x96: {  	_ =	strace s3  }
0x97: {  	_ =	strace $0x8FFFFFFF  }
0x98: {  	s19 =	sld [smem:$0x3FDB];
	_ =	sdelay $0x1  }
0x99: {  	s4 =	simm.s32 $_scs_section_size  }
0x9a: {  	s5 =	simm.s32 $_size__tile_overlayer_lowered;
	s6 =	simm.s32 $_tile_overlayer_lowered  }
0x9b: {  	s22 =	simm.s32 $0x1BFF;
	s21 =	sshll.u32 s6, $0x1;
	s3 =	sadd.s32 s4, s19  }
0x9c: {  	s7 =	simm.s32 $0x0;
	s20 =	sshll.u32 s5, $0x1;
	s5 =	sadd.s32 s21, s3  }
0x9d: {  	[timem:s7], [sflag:s22] =	dma.local [hbm:s5], s20  }
0x9e: {  	_ =	swait.ge [sflag:s22], s20  }
0x9f: {  	s4 =	ssub.s32 $0x0, s20;
	[sflag:s22] =	ssyncset.done $0x0  }
0xa0: {  	[sflag:s22] =	ssyncadd.s32 s4;
	_ =	sdelay $0x1  }
0xa1: {  	s23 =	simm.s32 $0x1B8B  }
0xa2: {  	_ =	swait.ge [sflag:s23], $0x1  }
0xa3: {  	[sflag:s23] =	ssyncset.done $0x0  }
0xa4: {  	s25 =	simm.s32 $0x1B8E;
	s24 =	sld [smem:$0x3FFE];
	[sflag:s23] =	ssyncadd.s32 $0xFFFFFFFF  }
0xa5: {  	s26 =	simm.s32 $execute0_lowered;
	[smem:$0x3FD2] =	sst s25  }
0xa6: {  	s5 =	sshll.u32 s26, $0x1;
	_ =	strace $0x80000046;
	[dreg:$0x1] =	wrdreg $0xFFFFFFFF  }
0xa7: {  	s28 =	simm.s32 $_size_execute0_lowered;
	s3 =	sadd.s32 s3, s5;
	[dreg:$0x0] =	wrdreg $0x0  }
0xa8: {  	s5 =	sshll.u32 s28, $0x1;
	[dreg:$0x2] =	wrdreg s3  }
0xa9: {  	[dreg:$0x3] =	wrdreg s5  }
0xaa: {  	[dreg:$0x4] =	wrdreg $0xC0  }
0xab: {  	_ =	task [dreg:s7], $0x5FFFF  }
0xac: {  	[dreg:$0x1] =	wrdreg $0xFFFFFFFF  }
0xad: {  	[dreg:$0x0] =	wrdreg $0x60  }
0xae: {  	[dreg:$0x2] =	wrdreg s24  }
0xaf: {  	[dreg:$0x3] =	wrdreg s2  }
0xb0: {  	[dreg:$0x4] =	wrdreg $0x9  }
0xb1: {  	_ =	task.clear_ibuf [dreg:s7], $0x5FFFF;
	_ =	strace $0x90000046  }
0xb2: {  	s29 =	simm.s32 $0x9;
	_ =	strace $0x80000048  }
0xb3: {  	_ =	swait.ge [sflag:s29], $0x1  }
0xb4: {  	[sflag:s29] =	ssyncadd.s32 $0xFFFFFFFF  }
0xb5: {  	_ =	strace $0x90000048  }
0xb6: {  	_ =	sfence  }
0xb7: {  	s30 =	sld [smem:$0x0];
	_ =	sdelay $0x2  }
0xb8: {  	s31 =	sshll.u32 s1, $0xD;
	s1 =	sshrl.u32 s1, $0x2  }
0xb9: {  	s3 =	sand.u32 $0x4000, s31;
	s1 =	sadd.s32 s1, s30  }
0xba: {  	s0 =	sor.u32 s3, s0;
	s1 =	sshll.u32 s1, $0x11  }
0xbb: {  	s0 =	sor.u32 s1, s0  }
0xbc: {  	s0 =	sadd.s32 $0x8F2B, s0  }
0xbd: {  	[sflag:s0] =	ssyncadd.remote.s32 $0x1  }
0xbe: {  	_ =	sfence.sel $0xFFFF  }
0xbf: {  	[dreg:$0x0] =	wrdreg $0xFFFFFFFF;
	(pc) =	sbr.abs _section_cstart, $3  }
0xc0: {  	[dreg:$0x1] =	wrdreg $0xFFFFFFFF  }
0xc1: {  	_ =	task.clear_ibuf [dreg:s7], $0x2FFFF;
	_ =	strace $0x9FFFFFFF  }
0xc2: {  	(tm) =	ssettm $0x7FFFFFFF  }
0xc3: {  	_ =	shalt  }
tec
execute0_lowered:
.L_overlay_start_1:
0x0: {  	(tag) =	ssettag $0x1  }
0x1: {  	s0 =	rddreg [dreg:$0x0];
	s1 =	srdreg.scid  }
0x2: {  	s2 =	stileid.u32;
	s6 =	rddreg [dreg:$0x1];
	s22 =	simm.s32 $0x3  }
0x3: {  	s23 =	simm.s32 $0x340;
	s24 =	simm.s32 $0x3400;
	s25 =	simm.s32 $0x9C00  }
0x4: {  	s28 =	simm.s32 $0x10400;
	s1 =	sand.u32 $0x1, s1;
	s3 =	sshll.u32 s2, $0x1  }
0x5: {  	s29 =	simm.s32 $0x1;
	s2 =	simm.s32 $0x0;
	s3 =	sor.u32 s1, s3  }
0x6: {  	s31 =	simm.s32 $0x16C00;
	[smem:$0x7FF] =	sst s2;
	s4 =	smul.u32 $0x680, s3  }
0x7: {  	s1 =	ssub.s32 $0x2, s1;
	_ =	strace $0x80000047;
	s5 =	smul.u32 $0x68000, s3  }
0x8: {  	s7 =	sshrl.u32 s1, $0x1;
	s8 =	smul.u32 $0xD000, s3;
	s3 =	sadd.s32 $0xD800, s0  }
0x9: {  	s26 =	ssub.s32 s1, s7;
	s4 =	sadd.s32 s4, s0;
	s30 =	sshrl.u32 s5, $0x3  }
0xa: {  	s5 =	sadd.s32 s6, s8;
	s21 =	smax.u32 s26, $0x1;
	s0 =	simm.s32 $0x0  }
0xb: {  	s4 =	sadd.s32 $0x800, s4;
	s1 =	sadd.s32 s6, s30;
	s6 =	sadd.s32 $0xD00, s5  }
0xc: {  	s7 =	sadd.s32 $0x1A00, s1;
	s8 =	sadd.s32 $0x2700, s1;
	s9 =	sadd.s32 $0x3400, s1  }
0xd: {  	s10 =	sadd.s32 $0x4100, s1;
	s11 =	sadd.s32 $0x4E00, s1;
	s12 =	sadd.s32 $0x5B00, s1  }
0xe: {  	s13 =	sadd.s32 $0x6800, s1;
	s14 =	sadd.s32 $0x7500, s1;
	s15 =	sadd.s32 $0x8200, s1  }
0xf: {  	s16 =	sadd.s32 $0x8F00, s1;
	s17 =	sadd.s32 $0x9C00, s1;
	s18 =	sadd.s32 $0xA900, s1  }
0x10: {  	s19 =	sadd.s32 $0xB600, s1;
	s20 =	sadd.s32 $0xC300, s1;
	s1 =	simm.s32 $0x2  }
.LBB2_1:
0x11: {  	[tilespmem:s2], [sflag:$0x3] =	stream.linear.gather [hbm4b:s4+s2], $0x3400, $0x38;
	[tilespmem:$0x1D400] =	vst v63  }
0x12: {  	_ =	swait.ge [sflag:s22], $0x3400  }
0x13: {  	[sflag:s22] =	ssyncset.done $0x0  }
0x14: {  	s26 =	simm.s32 $0x0;
	s30 =	simm.s32 $0x40;
	[sflag:s22] =	ssyncadd.s32 $0xFFFFCC00  }
.LBB2_2:
0x15: {  	p0 =	sne.s32 s30, $0xCFC0;
	v0 =	vld [tilespmem:s26+$0x0];
	_ =	sdelay $0x4  }
.Ltmp0:
0x16: {  	v1 =	vshll.u32 v0, $0x2;
	(pc) =	sbr.rel @p0 .LBB2_2-.Ltmp0, $4  }
0x17: {  	v2 =	vand.u32 $0xFFFFF000, v0;
	v0 =	vshrl.u32 v0, $0xA;
	v1 =	vand.u32 $0xFFC, v1  }
0x18: {  	v0 =	vand.u32 $0x3, v0;
	v1 =	vor.u32 v2, v1  }
0x19: {  	v0 =	vor.u32 v0, v1  }
0x1a: {  	[tilespmem:s26+$0x0] =	vst v0;
	s26 =	sshra.s32 s30, $0x2;
	s30 =	sadd.s32 $0x40, s30  }
0x1b: {  	v0 =	vld [tilespmem:s26+$0x0];
	_ =	sdelay $0x4  }
0x1c: {  	v1 =	vshll.u32 v0, $0x2  }
0x1d: {  	v2 =	vand.u32 $0xFFFFF000, v0;
	v0 =	vshrl.u32 v0, $0xA;
	v1 =	vand.u32 $0xFFC, v1  }
0x1e: {  	v0 =	vand.u32 $0x3, v0;
	v1 =	vor.u32 v2, v1  }
0x1f: {  	v0 =	vor.u32 v0, v1  }
0x20: {  	[tilespmem:s26+$0x0] =	vst v0  }
0x21: {  	[tilespmem:s24], [sflag:$0x1] =	stream.indirect.gather [hbm4b:s3+s23], $0x20, s2, s23, $0xb8;
	[tilespmem:$0x1D400] =	vst v63  }
0x22: {  	_ = 	snop  }
0x23: {  	[tilespmem:s25], [sflag:$0x1] =	stream.indirect.gather [hbm4b:s3+s23], $0x20, s23, s23, $0xb8;
	[tilespmem:$0x1D400] =	vst v63  }
0x24: {  	s30 =	simm.s32 $0x680  }
0x25: {  	[tilespmem:s28], [sflag:$0x1] =	stream.indirect.gather [hbm4b:s3+s23], $0x20, s30, s23, $0xb8;
	[tilespmem:$0x1D400] =	vst v63  }
0x26: {  	_ =	swait.ge [sflag:s29], $0x6800  }
0x27: {  	[sflag:s29] =	ssyncset.done $0x0  }
0x28: {  	[sflag:s29] =	ssyncadd.s32 $0xFFFF9800  }
0x29: {  	[hbm4b:s5+s2] =	stream.linear.scatter [tilespmem:s24], [sflag:$0x2], $0x6800, $0x38;
	[tilespmem:$0x1D400] =	vst v63  }
0x2a: {  	s30 =	simm.s32 $0x9C0  }
0x2b: {  	[tilespmem:s31], [sflag:$0x1] =	stream.indirect.gather [hbm4b:s3+s23], $0x20, s30, s23, $0xb8;
	[tilespmem:$0x1D400] =	vst v63  }
0x2c: {  	_ =	swait.ge [sflag:s29], $0x6800  }
0x2d: {  	[sflag:s29] =	ssyncset.done $0x0  }
0x2e: {  	[sflag:s29] =	ssyncadd.s32 $0xFFFF9800  }
0x2f: {  	[hbm4b:s6+s2] =	stream.linear.scatter [tilespmem:s25], [sflag:$0x2], $0x6800, $0x38;
	[tilespmem:$0x1D400] =	vst v63  }
0x30: {  	_ =	swait.ge [sflag:s1], $0x6800  }
0x31: {  	[sflag:s1] =	ssyncset.done $0x0  }
0x32: {  	s30 =	simm.s32 $0xD00;
	[sflag:s1] =	ssyncadd.s32 $0xFFFF9800  }
0x33: {  	[tilespmem:s24], [sflag:$0x1] =	stream.indirect.gather [hbm4b:s3+s23], $0x20, s30, s23, $0xb8;
	[tilespmem:$0x1D400] =	vst v63  }
0x34: {  	_ =	swait.ge [sflag:s29], $0x6800  }
0x35: {  	[sflag:s29] =	ssyncset.done $0x0  }
0x36: {  	[sflag:s29] =	ssyncadd.s32 $0xFFFF9800  }
0x37: {  	[hbm4b:s7+s2] =	stream.linear.scatter [tilespmem:s28], [sflag:$0x2], $0x6800, $0x38;
	[tilespmem:$0x1D400] =	vst v63  }
0x38: {  	_ =	swait.ge [sflag:s1], $0x6800  }
0x39: {  	[sflag:s1] =	ssyncset.done $0x0  }
0x3a: {  	s30 =	simm.s32 $0x1040;
	[sflag:s1] =	ssyncadd.s32 $0xFFFF9800  }
0x3b: {  	[tilespmem:s25], [sflag:$0x1] =	stream.indirect.gather [hbm4b:s3+s23], $0x20, s30, s23, $0xb8;
	[tilespmem:$0x1D400] =	vst v63  }
0x3c: {  	_ =	swait.ge [sflag:s29], $0x6800  }
0x3d: {  	[sflag:s29] =	ssyncset.done $0x0  }
0x3e: {  	[sflag:s29] =	ssyncadd.s32 $0xFFFF9800  }
0x3f: {  	[hbm4b:s8+s2] =	stream.linear.scatter [tilespmem:s31], [sflag:$0x2], $0x6800, $0x38;
	[tilespmem:$0x1D400] =	vst v63  }
0x40: {  	_ =	swait.ge [sflag:s1], $0x6800  }
0x41: {  	[sflag:s1] =	ssyncset.done $0x0  }
0x42: {  	s30 =	simm.s32 $0x1380;
	[sflag:s1] =	ssyncadd.s32 $0xFFFF9800  }
0x43: {  	[tilespmem:s28], [sflag:$0x1] =	stream.indirect.gather [hbm4b:s3+s23], $0x20, s30, s23, $0xb8;
	[tilespmem:$0x1D400] =	vst v63  }
0x44: {  	_ =	swait.ge [sflag:s29], $0x6800  }
0x45: {  	[sflag:s29] =	ssyncset.done $0x0  }
0x46: {  	[sflag:s29] =	ssyncadd.s32 $0xFFFF9800  }
0x47: {  	[hbm4b:s9+s2] =	stream.linear.scatter [tilespmem:s24], [sflag:$0x2], $0x6800, $0x38;
	[tilespmem:$0x1D400] =	vst v63  }
0x48: {  	_ =	swait.ge [sflag:s1], $0x6800  }
0x49: {  	[sflag:s1] =	ssyncset.done $0x0  }
0x4a: {  	s30 =	simm.s32 $0x16C0;
	[sflag:s1] =	ssyncadd.s32 $0xFFFF9800  }
0x4b: {  	[tilespmem:s31], [sflag:$0x1] =	stream.indirect.gather [hbm4b:s3+s23], $0x20, s30, s23, $0xb8;
	[tilespmem:$0x1D400] =	vst v63  }
0x4c: {  	_ =	swait.ge [sflag:s29], $0x6800  }
0x4d: {  	[sflag:s29] =	ssyncset.done $0x0  }
0x4e: {  	[sflag:s29] =	ssyncadd.s32 $0xFFFF9800  }
0x4f: {  	[hbm4b:s10+s2] =	stream.linear.scatter [tilespmem:s25], [sflag:$0x2], $0x6800, $0x38;
	[tilespmem:$0x1D400] =	vst v63  }
0x50: {  	_ =	swait.ge [sflag:s1], $0x6800  }
0x51: {  	[sflag:s1] =	ssyncset.done $0x0  }
0x52: {  	s30 =	simm.s32 $0x1A00;
	[sflag:s1] =	ssyncadd.s32 $0xFFFF9800  }
0x53: {  	[tilespmem:s24], [sflag:$0x1] =	stream.indirect.gather [hbm4b:s3+s23], $0x20, s30, s23, $0xb8;
	[tilespmem:$0x1D400] =	vst v63  }
0x54: {  	_ =	swait.ge [sflag:s29], $0x6800  }
0x55: {  	[sflag:s29] =	ssyncset.done $0x0  }
0x56: {  	[sflag:s29] =	ssyncadd.s32 $0xFFFF9800  }
0x57: {  	[hbm4b:s11+s2] =	stream.linear.scatter [tilespmem:s28], [sflag:$0x2], $0x6800, $0x38;
	[tilespmem:$0x1D400] =	vst v63  }
0x58: {  	_ =	swait.ge [sflag:s1], $0x6800  }
0x59: {  	[sflag:s1] =	ssyncset.done $0x0  }
0x5a: {  	s30 =	simm.s32 $0x1D40;
	[sflag:s1] =	ssyncadd.s32 $0xFFFF9800  }
0x5b: {  	[tilespmem:s25], [sflag:$0x1] =	stream.indirect.gather [hbm4b:s3+s23], $0x20, s30, s23, $0xb8;
	[tilespmem:$0x1D400] =	vst v63  }
0x5c: {  	_ =	swait.ge [sflag:s29], $0x6800  }
0x5d: {  	[sflag:s29] =	ssyncset.done $0x0  }
0x5e: {  	[sflag:s29] =	ssyncadd.s32 $0xFFFF9800  }
0x5f: {  	[hbm4b:s12+s2] =	stream.linear.scatter [tilespmem:s31], [sflag:$0x2], $0x6800, $0x38;
	[tilespmem:$0x1D400] =	vst v63  }
0x60: {  	_ =	swait.ge [sflag:s1], $0x6800  }
0x61: {  	[sflag:s1] =	ssyncset.done $0x0  }
0x62: {  	s30 =	simm.s32 $0x2080;
	[sflag:s1] =	ssyncadd.s32 $0xFFFF9800  }
0x63: {  	[tilespmem:s28], [sflag:$0x1] =	stream.indirect.gather [hbm4b:s3+s23], $0x20, s30, s23, $0xb8;
	[tilespmem:$0x1D400] =	vst v63  }
0x64: {  	_ =	swait.ge [sflag:s29], $0x6800  }
0x65: {  	[sflag:s29] =	ssyncset.done $0x0  }
0x66: {  	[sflag:s29] =	ssyncadd.s32 $0xFFFF9800  }
0x67: {  	[hbm4b:s13+s2] =	stream.linear.scatter [tilespmem:s24], [sflag:$0x2], $0x6800, $0x38;
	[tilespmem:$0x1D400] =	vst v63  }
0x68: {  	_ =	swait.ge [sflag:s1], $0x6800  }
0x69: {  	[sflag:s1] =	ssyncset.done $0x0  }
0x6a: {  	s30 =	simm.s32 $0x23C0;
	[sflag:s1] =	ssyncadd.s32 $0xFFFF9800  }
0x6b: {  	[tilespmem:s31], [sflag:$0x1] =	stream.indirect.gather [hbm4b:s3+s23], $0x20, s30, s23, $0xb8;
	[tilespmem:$0x1D400] =	vst v63  }
0x6c: {  	_ =	swait.ge [sflag:s29], $0x6800  }
0x6d: {  	[sflag:s29] =	ssyncset.done $0x0  }
0x6e: {  	[sflag:s29] =	ssyncadd.s32 $0xFFFF9800  }
0x6f: {  	[hbm4b:s14+s2] =	stream.linear.scatter [tilespmem:s25], [sflag:$0x2], $0x6800, $0x38;
	[tilespmem:$0x1D400] =	vst v63  }
0x70: {  	_ =	swait.ge [sflag:s1], $0x6800  }
0x71: {  	[sflag:s1] =	ssyncset.done $0x0  }
0x72: {  	s30 =	simm.s32 $0x2700;
	[sflag:s1] =	ssyncadd.s32 $0xFFFF9800  }
0x73: {  	[tilespmem:s24], [sflag:$0x1] =	stream.indirect.gather [hbm4b:s3+s23], $0x20, s30, s23, $0xb8;
	[tilespmem:$0x1D400] =	vst v63  }
0x74: {  	_ =	swait.ge [sflag:s29], $0x6800  }
0x75: {  	[sflag:s29] =	ssyncset.done $0x0  }
0x76: {  	[sflag:s29] =	ssyncadd.s32 $0xFFFF9800  }
0x77: {  	[hbm4b:s15+s2] =	stream.linear.scatter [tilespmem:s28], [sflag:$0x2], $0x6800, $0x38;
	[tilespmem:$0x1D400] =	vst v63  }
0x78: {  	_ =	swait.ge [sflag:s1], $0x6800  }
0x79: {  	[sflag:s1] =	ssyncset.done $0x0  }
0x7a: {  	s30 =	simm.s32 $0x2A40;
	[sflag:s1] =	ssyncadd.s32 $0xFFFF9800  }
0x7b: {  	[tilespmem:s25], [sflag:$0x1] =	stream.indirect.gather [hbm4b:s3+s23], $0x20, s30, s23, $0xb8;
	[tilespmem:$0x1D400] =	vst v63  }
0x7c: {  	_ =	swait.ge [sflag:s29], $0x6800  }
0x7d: {  	[sflag:s29] =	ssyncset.done $0x0  }
0x7e: {  	[sflag:s29] =	ssyncadd.s32 $0xFFFF9800  }
0x7f: {  	[hbm4b:s16+s2] =	stream.linear.scatter [tilespmem:s31], [sflag:$0x2], $0x6800, $0x38;
	[tilespmem:$0x1D400] =	vst v63  }
0x80: {  	_ =	swait.ge [sflag:s1], $0x6800  }
0x81: {  	[sflag:s1] =	ssyncset.done $0x0  }
0x82: {  	s30 =	simm.s32 $0x2D80;
	[sflag:s1] =	ssyncadd.s32 $0xFFFF9800  }
0x83: {  	[tilespmem:s28], [sflag:$0x1] =	stream.indirect.gather [hbm4b:s3+s23], $0x20, s30, s23, $0xb8;
	[tilespmem:$0x1D400] =	vst v63  }
0x84: {  	_ =	swait.ge [sflag:s29], $0x6800  }
0x85: {  	[sflag:s29] =	ssyncset.done $0x0  }
0x86: {  	[sflag:s29] =	ssyncadd.s32 $0xFFFF9800  }
0x87: {  	[hbm4b:s17+s2] =	stream.linear.scatter [tilespmem:s24], [sflag:$0x2], $0x6800, $0x38;
	[tilespmem:$0x1D400] =	vst v63  }
0x88: {  	_ =	swait.ge [sflag:s1], $0x6800  }
0x89: {  	[sflag:s1] =	ssyncset.done $0x0  }
0x8a: {  	s30 =	simm.s32 $0x30C0;
	[sflag:s1] =	ssyncadd.s32 $0xFFFF9800  }
0x8b: {  	[tilespmem:s31], [sflag:$0x1] =	stream.indirect.gather [hbm4b:s3+s23], $0x20, s30, s23, $0xb8;
	[tilespmem:$0x1D400] =	vst v63  }
0x8c: {  	_ =	swait.ge [sflag:s29], $0x6800  }
0x8d: {  	[sflag:s29] =	ssyncset.done $0x0  }
0x8e: {  	[sflag:s29] =	ssyncadd.s32 $0xFFFF9800  }
0x8f: {  	[hbm4b:s18+s2] =	stream.linear.scatter [tilespmem:s25], [sflag:$0x2], $0x6800, $0x38;
	[tilespmem:$0x1D400] =	vst v63  }
0x90: {  	_ =	swait.ge [sflag:s29], $0x6800  }
0x91: {  	[sflag:s29] =	ssyncset.done $0x0  }
0x92: {  	[sflag:s29] =	ssyncadd.s32 $0xFFFF9800  }
0x93: {  	[hbm4b:s19+s2] =	stream.linear.scatter [tilespmem:s28], [sflag:$0x2], $0x6800, $0x38;
	[tilespmem:$0x1D400] =	vst v63  }
0x94: {  	_ =	swait.ge [sflag:s29], $0x6800  }
0x95: {  	[sflag:s29] =	ssyncset.done $0x0  }
0x96: {  	[sflag:s29] =	ssyncadd.s32 $0xFFFF9800  }
0x97: {  	[hbm4b:s20+s2] =	stream.linear.scatter [tilespmem:s31], [sflag:$0x2], $0x6800, $0x38;
	[tilespmem:$0x1D400] =	vst v63  }
0x98: {  	_ =	swait.ge [sflag:s1], $0x6800  }
0x99: {  	[sflag:s1] =	ssyncset.done $0x0  }
0x9a: {  	[sflag:s1] =	ssyncadd.s32 $0xFFFF9800  }
0x9b: {  	_ =	swait.ge [sflag:s1], $0x6800  }
0x9c: {  	[sflag:s1] =	ssyncset.done $0x0  }
0x9d: {  	s0 =	sadd.s32 $0x1, s0;
	[sflag:s1] =	ssyncadd.s32 $0xFFFF9800  }
0x9e: {  	p0 =	sne.s32 s0, s21;
	_ =	swait.ge [sflag:s1], $0x6800  }
.Ltmp1:
0x9f: {  	[sflag:s1] =	ssyncset.done $0x0;
	(pc) =	sbr.rel @p0 .LBB2_1-.Ltmp1, $4  }
0xa0: {  	[sflag:s1] =	ssyncadd.s32 $0xFFFF9800  }
0xa1: {  	_ =	swait.ge [sflag:s1], $0x6800  }
0xa2: {  	[sflag:s1] =	ssyncset.done $0x0  }
0xa3: {  	[sflag:s1] =	ssyncadd.s32 $0xFFFF9800  }
0xa4: {  	_ =	sfence.sel $0x180000  }
0xa5: {  	[bflag:$0x0] =	sbarrier.arrive $0xFFFF  }
0xa6: {  	_ =	strace $0x90000047  }
0xa7: {  	s0 =	stileid.u32;
	[bflag:$0x2] =	sbarrier.arrive $0xFFFF  }
0xa8: {  	p0 =	sne.s32 s0, $0x0;
	s0 =	rddreg [dreg:$0x2]  }
0xa9: {  	s0 =	sadd.s32 @!p0 $0x100000, s0  }
0xaa: {  	[sflag:s0] =	ssyncadd.tile.s32 @!p0 $0x1;
	_ =	shalt  }
.Lfunc_end2:
_tile_overlayer_lowered:
.L_overlay_start_2:
0xab: {  	(tag) =	ssettag $0x2  }
0xac: {  	s0 =	rddreg [dreg:$0x0];
	s2 =	stileid.u32  }
0xad: {  	s1 =	rddreg [dreg:$0x1];
	p0 =	sne.s32 s2, $0x0  }
0xae: {  	s3 =	rddreg [dreg:$0x2];
	[bflag:$0x3] =	sbarrier.arrive $0xFFFF;
	s2 =	simm.s32 @!p0 $0x1C03  }
0xaf: {  	[timem:s3], [sflag:s2] =	dma.local @!p0 [hbm:s0], s1  }
0xb0: {  	s0 =	simm.s32 @!p0 $0x3  }
0xb1: {  	_ =	swait.ge @!p0 [sflag:s0], s1  }
0xb2: {  	s1 =	ssub.s32 @!p0 $0x0, s1;
	[sflag:s0] =	ssyncset.done @!p0 $0x0  }
0xb3: {  	[sflag:s0] =	ssyncadd.s32 @!p0 s1  }
0xb4: {  	[bflag:$0x3] =	sbarrier.arrive $0xFFFF  }
0xb5: {  	_ =	shalt  }

// kernel: sparse-core-data-format-call.cloned.1.call-start
scs
called_computation_lowered:
.L_overlay_start_0:
0x0: {  	s2 =	sld [smem:$0x3FD9]  }
0x1: {  	s3 =	sld [smem:$0x3FFE];
	_ =	sdelay $0x1  }
0x2: {  	s1 =	srdreg.scid  }
0x3: {  	s0 =	sand.u32 $0x1, s1  }
0x4: {  	s18 =	sshll.u32 s0, $0xA;
	s2 =	sadd.s32 s3, s2  }
0x5: {  	s2 =	sadd.s32 s2, s18  }
0x6: {  	[smem:$0x3FC6] =	sst s2  }
0x7: {  	_ = 	snop  }
0x8: {  	s2 =	sld [smem:$0x3FD0];
	(tm) =	ssettm $0x1  }
0x9: {  	s19 =	sld [smem:$0x3FFB];
	_ =	sdelay $0x3  }
0xa: {  	_ =	strace s19  }
0xb: {  	s3 =	sld [smem:$0x3FFC];
	_ =	sdelay $0x3  }
0xc: {  	_ =	strace s3  }
0xd: {  	s3 =	sld [smem:$0x3FFD];
	_ =	sdelay $0x3  }
0xe: {  	_ =	strace s3  }
0xf: {  	_ =	strace $0x8FFFFFFF  }
0x10: {  	s20 =	sld [smem:$0x3FDB];
	_ =	sdelay $0x1  }
0x11: {  	s4 =	simm.s32 $_scs_section_size  }
0x12: {  	s5 =	simm.s32 $_size__tile_overlayer_lowered;
	s6 =	simm.s32 $_tile_overlayer_lowered  }
0x13: {  	s23 =	simm.s32 $0x1BFF;
	s22 =	sshll.u32 s6, $0x1;
	s3 =	sadd.s32 s4, s20  }
0x14: {  	s7 =	simm.s32 $0x0;
	s21 =	sshll.u32 s5, $0x1;
	s5 =	sadd.s32 s22, s3  }
0x15: {  	[timem:s7], [sflag:s23] =	dma.local [hbm:s5], s21  }
0x16: {  	_ =	swait.ge [sflag:s23], s21  }
0x17: {  	s4 =	ssub.s32 $0x0, s21;
	[sflag:s23] =	ssyncset.done $0x0  }
0x18: {  	[sflag:s23] =	ssyncadd.s32 s4;
	_ =	sdelay $0x1  }
0x19: {  	s24 =	simm.s32 $0x1B8B  }
0x1a: {  	_ =	swait.ge [sflag:s24], $0x1  }
0x1b: {  	[sflag:s24] =	ssyncset.done $0x0  }
0x1c: {  	s26 =	simm.s32 $0x1B8E;
	s25 =	sld [smem:$0x3FFE];
	[sflag:s24] =	ssyncadd.s32 $0xFFFFFFFF  }
0x1d: {  	s27 =	simm.s32 $execute0_lowered;
	[smem:$0x3FD2] =	sst s26  }
0x1e: {  	s5 =	sshll.u32 s27, $0x1;
	_ =	strace $0x80000049;
	[dreg:$0x1] =	wrdreg $0xFFFFFFFF  }
0x1f: {  	s28 =	simm.s32 $_size_execute0_lowered;
	s3 =	sadd.s32 s3, s5;
	[dreg:$0x0] =	wrdreg $0x0  }
0x20: {  	s5 =	sshll.u32 s28, $0x1;
	[dreg:$0x2] =	wrdreg s3  }
0x21: {  	[dreg:$0x3] =	wrdreg s5  }
0x22: {  	[dreg:$0x4] =	wrdreg $0xC0  }
0x23: {  	_ =	task [dreg:s7], $0x5FFFF  }
0x24: {  	[dreg:$0x1] =	wrdreg $0xFFFFFFFF  }
0x25: {  	[dreg:$0x0] =	wrdreg $0x60  }
0x26: {  	[dreg:$0x2] =	wrdreg s25  }
0x27: {  	[dreg:$0x3] =	wrdreg s2  }
0x28: {  	[dreg:$0x4] =	wrdreg $0x9  }
0x29: {  	_ =	task.clear_ibuf [dreg:s7], $0x5FFFF;
	_ =	strace $0x90000049  }
0x2a: {  	s29 =	simm.s32 $0x9;
	_ =	strace $0x8000004B  }
0x2b: {  	_ =	swait.ge [sflag:s29], $0x1  }
0x2c: {  	[sflag:s29] =	ssyncadd.s32 $0xFFFFFFFF  }
0x2d: {  	_ =	strace $0x9000004B  }
0x2e: {  	_ =	sfence  }
0x2f: {  	s30 =	sld [smem:$0x0];
	_ =	sdelay $0x2  }
0x30: {  	s31 =	sshll.u32 s1, $0xD;
	s1 =	sshrl.u32 s1, $0x2  }
0x31: {  	s3 =	sand.u32 $0x4000, s31;
	s1 =	sadd.s32 s1, s30  }
0x32: {  	s0 =	sor.u32 s3, s0;
	s1 =	sshll.u32 s1, $0x11  }
0x33: {  	s0 =	sor.u32 s1, s0  }
0x34: {  	s0 =	sadd.s32 $0x8F2B, s0  }
0x35: {  	[sflag:s0] =	ssyncadd.remote.s32 $0x1  }
0x36: {  	_ =	sfence.sel $0xFFFF  }
0x37: {  	[dreg:$0x0] =	wrdreg $0xFFFFFFFF;
	(pc) =	sbr.abs _section_cstart, $3  }
0x38: {  	[dreg:$0x1] =	wrdreg $0xFFFFFFFF  }
0x39: {  	_ =	task.clear_ibuf [dreg:s7], $0x2FFFF;
	_ =	strace $0x9FFFFFFF  }
0x3a: {  	(tm) =	ssettm $0x7FFFFFFF  }
0x3b: {  	_ =	shalt  }
tec
execute0_lowered:
.L_overlay_start_1:
0x0: {  	(tag) =	ssettag $0x1  }
0x1: {  	s0 =	srdreg.scid  }
0x2: {  	s1 =	sshll.u32 s0, $0x4  }
0x3: {  	s0 =	stileid.u32;
	s1 =	sand.u32 $0x10, s1  }
0x4: {  	s1 =	sor.u32 s0, s1  }
0x5: {  	s6 =	rddreg [dreg:$0x0];
	s4 =	simm.s32 $0x1;
	s2 =	sshll.u32 s1, $0x7  }
0x6: {  	s7 =	simm.s32 $0x2;
	s12 =	simm.s32 $0x0;
	s1 =	ssub.s32 $0x4000, s2  }
0x7: {  	s8 =	simm.s32 $0x20000;
	s13 =	simm.s32 $0x0;
	s3 =	sand.u32 $0xF80, s1  }
0x8: {  	s9 =	simm.s32 $0x0;
	s5 =	sshrl.u32 s1, $0xC;
	p0 =	sne.s32 s3, $0x0  }
.Ltmp0:
0x9: {  	s1 =	rddreg [dreg:$0x2];
	s4 =	simm.s32 @!p0 $0x0;
	(pc) =	sbr.rel .LBB1_1-.Ltmp0, $4  }
0xa: {  	s11 =	simm.s32 $0x0;
	s3 =	rddreg [dreg:$0x1];
	s5 =	sadd.s32 s4, s5  }
0xb: {  	_ =	strace $0x8000004A;
	s4 =	simm.s32 $0x1;
	s5 =	smul.u32 $0x1A, s5  }
0xc: {  	s6 =	sadd.s32 $0x800, s6;
	s10 =	smov.u32 s2;
	[sflag:s4] =	ssyncpa.u1 $0x0  }
0xd: {  	p0 =	por $0x0, $0x0;
	[sflag:s7] =	ssyncpa.u1 $0x0;
	s7 =	sor.u32 $0x1, s5  }
.LBB1_4:
0xe: {  	s16 =	sshll.u32 s13, $0x3;
	s17 =	sand.u32 $0x78, s13  }
0xf: {  	s30 =	sand.u32 $0xF800, s13;
	s12 =	sshll.u32 s12, $0x10;
	s16 =	sand.u32 $0x3C00, s16  }
0x10: {  	s31 =	sand.u32 $0x7, s13;
	s16 =	sor.u32 s17, s16;
	s17 =	sadd.s32 s3, s30  }
0x11: {  	s13 =	sshll.u32 s31, $0x12;
	s16 =	sshrl.u32 s16, $0x3;
	s12 =	sadd.s32 s12, s17  }
0x12: {  	[tilespmem:s15+$0x0 ss:$0x81] =	vst.msk $0xffff, v0;
	s13 =	sor.u32 $0x400, s13;
	s12 =	sadd.s32 s16, s12  }
0x13: {  	[hbm4b:s12+s13] =	stream.strided.scatter [tilespmem:s14], [sflag:$0x2], $0x1000, s8, s13, $0x20;
	[tilespmem:$0x4040] =	vst v63  }
.LBB1_5:
0x14: {  	s14 =	sadd.s32 $0x1, s9  }
0x15: {  	s12 =	sadd.s32 $0x1000, s10;
	s16 =	smov.u32 s10;
	p2 =	sgt.s32 s14, $0x19  }
0x16: {  	s16 =	smov.u32 @p2 s12  }
0x17: {  	s14 =	simm.s32 @p2 $0x0;
	p2 =	sgt.s32 s16, $0x3FFF  }
0x18: {  	s16 =	smov.u32 @p2 s2;
	p2 =	sne.s32 s11, s7  }
.Ltmp1:
0x19: {  	p1 =	slt.u32 s11, $0x2;
	(pc) =	sbr.rel @!p2 .LBB1_6-.Ltmp1, $4  }
0x1a: {  	s15 =	simm.s32 @!p1 $0x2  }
0x1b: {  	s13 =	smov.u32 s10;
	p0 =	por !p0, !p0;
	_ =	swait.ge @!p1 [sflag:s15], $0x1000  }
0x1c: {  	s12 =	smov.u32 s9;
	[sflag:s15] =	ssyncset.done @!p1 $0x0;
	s9 =	smov.u32 s14  }
0x1d: {  	s11 =	sadd.s32 $0x1, s11;
	[sflag:s15] =	ssyncadd.s32 @!p1 $0xFFFFF000;
	s10 =	smov.u32 s16  }
.LBB1_1:
0x1e: {  	p1 =	sge.u32 s11, s5  }
0x1f: {  	s31 =	sadd.s32 $0xFFFFFFFF, s11;
	s14 =	sxor.u32 @!p1 $0xFFFFFFFF, s11  }
0x20: {  	s15 =	sshll.u32 @!p1 s10, $0x9;
	s16 =	sshll.u32 @!p1 s9, $0x4;
	s17 =	simm.s32 @!p1 $0x1000  }
0x21: {  	s14 =	sshll.u32 @!p1 s14, $0xC;
	s16 =	sand.u32 @!p1 $0x1F0, s16;
	s15 =	sadd.s32 @!p1 s6, s15  }
0x22: {  	s14 =	sand.u32 @!p1 $0x1000, s14;
	s15 =	sadd.s32 @!p1 s16, s15;
	s16 =	simm.s32 @!p1 $0x20  }
0x23: {  	[tilespmem:s14], [sflag:$0x1] =	stream.strided.gather @!p1 [hbm4b:s15+s16], $0x1000, s17, s16, $0x38;
	[tilespmem:$0x4040] =	vst v63  }
0x24: {  	p1 =	sge.u32 s31, s5  }
.Ltmp2:
0x25: {  	_ = 	snop;
	(pc) =	sbr.rel @p1 .LBB1_5-.Ltmp2, $1  }
0x26: {  	_ =	sdelay $0x3  }
0x27: {  	s14 =	simm.s32 $0x1  }
0x28: {  	_ =	swait.ge [sflag:s4], $0x1000;
	s14 =	simm.s32 @!p0 $0x0  }
0x29: {  	[sflag:s4] =	ssyncset.done $0x0;
	s15 =	sshll.u32 s14, $0xC  }
0x2a: {  	[sflag:s4] =	ssyncadd.s32 $0xFFFFF000;
	s18 =	sor.u32 $0x10, s15  }
0x2b: {  	s14 =	smul.u32 $0x4080, s14;
	v1 =	vld [tilespmem:s18+$0x0]  }
0x2c: {  	s30 =	sand.u32 $0x1, s11;
	v0 =	vld [tilespmem:s18+$0xFFFFFFF0]  }
0x2d: {  	s15 =	smul.u32 $0x4080, s30;
	s14 =	sshrl.u32 s14, $0x2  }
0x2e: {  	s16 =	sor.u32 $0x2000, s14  }
0x2f: {  	s31 =	sshrl.u32 s15, $0x2;
	s15 =	sadd.s32 $0x0, s16  }
0x30: {  	s17 =	simm.s32 $0x4;
	s18 =	sadd.s32 $0x20, s18;
	s14 =	sor.u32 $0x2000, s31;
	[tilespmem:s15+$0x810 ss:$0x81] =	vst.msk $0xffff, v1  }
.LBB1_3:
0x31: {  	v1 =	vld [tilespmem:s18+$0x0];
	p1 =	sne.s32 s17, $0x1FC;
	[tilespmem:s15+$0x0 ss:$0x81] =	vst.msk $0xffff, v0;
	s15 =	smov.u32 s17;
	s17 =	sadd.s32 $0x4, s17  }
.Ltmp3:
0x32: {  	v0 =	vld [tilespmem:s18+$0xFFFFFFF0];
	(pc) =	sbr.rel @p1 .LBB1_3-.Ltmp3, $4  }
0x33: {  	_ = 	snop  }
0x34: {  	s15 =	sshra.s32 s15, $0x2  }
0x35: {  	s15 =	sadd.s32 s15, s16  }
0x36: {  	s18 =	sadd.s32 $0x20, s18;
	[tilespmem:s15+$0x810 ss:$0x81] =	vst.msk $0xffff, v1  }
.Ltmp4:
0x37: {  	_ = 	snop;
	(pc) =	sbr.rel .LBB1_4-.Ltmp4, $1  }
0x38: {  	_ =	sdelay $0x3  }
.LBB1_6:
0x39: {  	_ =	sfence.sel $0x180000  }
0x3a: {  	s2 =	simm.s32 $0x1;
	[bflag:$0x0] =	sbarrier.arrive $0xFFFF  }
0x3b: {  	s31 =	simm.s32 $0x2;
	[sflag:s2] =	ssyncpa.u1 $0x1  }
0x3c: {  	[sflag:s31] =	ssyncpa.u1 $0x1  }
0x3d: {  	p0 =	sne.s32 s0, $0x0;
	_ =	strace $0x9000004A  }
0x3e: {  	s0 =	sadd.s32 @!p0 $0x100000, s1;
	[bflag:$0x2] =	sbarrier.arrive $0xFFFF  }
0x3f: {  	[sflag:s0] =	ssyncadd.tile.s32 @!p0 $0x1;
	_ =	shalt  }
.Lfunc_end1:
_tile_overlayer_lowered:
.L_overlay_start_2:
0x40: {  	(tag) =	ssettag $0x2  }
0x41: {  	s0 =	rddreg [dreg:$0x0];
	s2 =	stileid.u32  }
0x42: {  	s1 =	rddreg [dreg:$0x1];
	p0 =	sne.s32 s2, $0x0  }
0x43: {  	s3 =	rddreg [dreg:$0x2];
	[bflag:$0x3] =	sbarrier.arrive $0xFFFF;
	s2 =	simm.s32 @!p0 $0x1C01  }
0x44: {  	[timem:s3], [sflag:s2] =	dma.local @!p0 [hbm:s0], s1  }
0x45: {  	s0 =	simm.s32 @!p0 $0x1  }
0x46: {  	_ =	swait.ge @!p0 [sflag:s0], s1  }
0x47: {  	s1 =	ssub.s32 @!p0 $0x0, s1;
	[sflag:s0] =	ssyncset.done @!p0 $0x0  }
0x48: {  	[sflag:s0] =	ssyncadd.s32 @!p0 s1  }
0x49: {  	[bflag:$0x3] =	sbarrier.arrive $0xFFFF  }
0x4a: {  	_ =	shalt  }

</sc_bundles>
